<compile_context>
chip_gen: v7x
topology: tpu7x:2x2x1
jax: 0.10.2.dev20260603
libtpu: 0.0.44.dev20260713+nightly
codegen_flags: <defaults>
</compile_context>

<pallas_src>
import functools

import jax
import jax.numpy as jnp
from jax import lax
from jax.experimental import pallas as pl
from jax.experimental.pallas import tpu as pltpu
from jax.experimental.pallas import tpu_sc as plsc

VOCAB = 100000
DIM = 128
BATCH = 16384
NEG = 20

_info = plsc.get_sparse_core_info()
NC = _info.num_cores
NS = _info.num_subcores
NW = NC * NS

CH = 128
W_CHUNKS = BATCH // (NW * CH)
N_CHUNKS = BATCH * NEG // (NW * CH)
W_PER = W_CHUNKS * CH
N_PER = N_CHUNKS * CH

_mesh = plsc.VectorSubcoreMesh(core_axis_name="c", subcore_axis_name="s")


@functools.partial(
    pl.kernel,
    mesh=_mesh,
    out_type=[
        jax.ShapeDtypeStruct((BATCH, DIM), jnp.float32),
        jax.ShapeDtypeStruct((BATCH, DIM), jnp.float32),
        jax.ShapeDtypeStruct((BATCH * NEG, DIM), jnp.float32),
    ],
    scratch_types=[
        pltpu.VMEM((W_CHUNKS, CH), jnp.int32),
        pltpu.VMEM((W_CHUNKS, CH), jnp.int32),
        pltpu.VMEM((N_CHUNKS, CH), jnp.int32),
        pltpu.VMEM((CH, DIM), jnp.float32),
        pltpu.VMEM((CH, DIM), jnp.float32),
        pltpu.VMEM((CH, DIM), jnp.float32),
        pltpu.VMEM((CH, DIM), jnp.float32),
        pltpu.SemaphoreType.DMA,
        pltpu.SemaphoreType.DMA,
        pltpu.SemaphoreType.DMA,
        pltpu.SemaphoreType.DMA,
    ],
)
def _sc_gather(words_hbm, ctx_hbm, neg_hbm, wtab_hbm, ctab_hbm,
               out_w, out_c, out_n,
               idx_w, idx_c, idx_n, buf_a0, buf_a1, buf_b0, buf_b1,
               gsem_a, gsem_b, ssem_a, ssem_b):
    wid = lax.axis_index("s") * NC + lax.axis_index("c")

    pltpu.sync_copy(words_hbm.at[wid], idx_w)
    pltpu.sync_copy(ctx_hbm.at[wid], idx_c)
    pltpu.sync_copy(neg_hbm.at[wid], idx_n)

    def phase(tab, idx_v, out, base, nchunks):
        def g_start(j, buf, sem):
            pltpu.async_copy(tab.at[idx_v.at[j]], buf, sem)

        def g_wait(j, buf, sem):
            pltpu.make_async_copy(tab.at[idx_v.at[j]], buf, sem).wait()

        def s_start(j, buf, sem):
            pltpu.async_copy(buf, out.at[pl.ds(base + j * CH, CH)], sem)

        def s_wait(j, buf, sem):
            pltpu.make_async_copy(
                buf, out.at[pl.ds(base + j * CH, CH)], sem).wait()

        g_start(0, buf_a0, gsem_a)
        g_start(1, buf_a1, gsem_a)
        g_start(2, buf_b0, gsem_b)
        g_start(3, buf_b1, gsem_b)

        def body(m, carry):
            c = m * 4
            g_wait(c, buf_a0, gsem_a)
            g_wait(c + 1, buf_a1, gsem_a)
            s_start(c, buf_a0, ssem_a)
            s_start(c + 1, buf_a1, ssem_a)
            s_wait(c, buf_a0, ssem_a)
            s_wait(c + 1, buf_a1, ssem_a)
            g_start(c + 4, buf_a0, gsem_a)
            g_start(c + 5, buf_a1, gsem_a)
            g_wait(c + 2, buf_b0, gsem_b)
            g_wait(c + 3, buf_b1, gsem_b)
            s_start(c + 2, buf_b0, ssem_b)
            s_start(c + 3, buf_b1, ssem_b)
            s_wait(c + 2, buf_b0, ssem_b)
            s_wait(c + 3, buf_b1, ssem_b)
            g_start(c + 6, buf_b0, gsem_b)
            g_start(c + 7, buf_b1, gsem_b)
            return carry
        lax.fori_loop(0, nchunks // 4 - 1, body, 0)

        c = nchunks - 4
        g_wait(c, buf_a0, gsem_a)
        g_wait(c + 1, buf_a1, gsem_a)
        s_start(c, buf_a0, ssem_a)
        s_start(c + 1, buf_a1, ssem_a)
        g_wait(c + 2, buf_b0, gsem_b)
        g_wait(c + 3, buf_b1, gsem_b)
        s_start(c + 2, buf_b0, ssem_b)
        s_start(c + 3, buf_b1, ssem_b)
        s_wait(c, buf_a0, ssem_a)
        s_wait(c + 1, buf_a1, ssem_a)
        s_wait(c + 2, buf_b0, ssem_b)
        s_wait(c + 3, buf_b1, ssem_b)

    phase(wtab_hbm, idx_w, out_w, wid * W_PER, W_CHUNKS)
    phase(ctab_hbm, idx_c, out_c, wid * W_PER, W_CHUNKS)
    phase(ctab_hbm, idx_n, out_n, wid * N_PER, N_CHUNKS)


def kernel(words, contexts, neg_contexts, w_embeddings, c_embeddings):
    words3 = words.astype(jnp.int32).reshape(NW, W_CHUNKS, CH)
    ctx3 = contexts.astype(jnp.int32).reshape(NW, W_CHUNKS, CH)
    neg3 = neg_contexts.astype(jnp.int32).T.reshape(NW, N_CHUNKS, CH)
    out_w, out_c, out_nf = _sc_gather(words3, ctx3, neg3,
                                      w_embeddings, c_embeddings)
    out_n = out_nf.reshape(NEG, BATCH, DIM).transpose(1, 0, 2)
    return (out_w, out_c, out_n)

# --- scband reference (transcript-rebuilt; emitter-appended) ---
"""Pipeline reference for scband-skip-gram-negative-sampling-model-1683627180772 (READ-ONLY COPY).

The authoritative reference and input builder live on the scoring server;
editing this copy changes nothing except your own understanding.
"""

import jax, jax.numpy as jnp
import numpy as np

VOCAB = 100000
DIM = 128
BATCH = 16384
NEG = 20

def setup_inputs(seed: int = 0) -> dict:
    key = jax.random.key(seed)
    k1, k2, k3, k4, k5 = jax.random.split(key, 5)
    words = jax.random.randint(k1, (BATCH,), 0, VOCAB, dtype=jnp.int64) if jax.config.jax_enable_x64 else jax.random.randint(k1, (BATCH,), 0, VOCAB, dtype=jnp.int32)
    contexts = jax.random.randint(k2, (BATCH,), 0, VOCAB, dtype=words.dtype)
    neg_contexts = jax.random.randint(k3, (BATCH, NEG), 0, VOCAB, dtype=words.dtype)
    w_embeddings = jax.random.normal(k4, (VOCAB, DIM), dtype=jnp.float32) * 0.02
    c_embeddings = jax.random.normal(k5, (VOCAB, DIM), dtype=jnp.float32) * 0.02
    return {
        'words': words,
        'contexts': contexts,
        'neg_contexts': neg_contexts,
        'w_embeddings': w_embeddings,
        'c_embeddings': c_embeddings,
    }

def reference(words, contexts, neg_contexts, w_embeddings, c_embeddings):
    # forward_w: word embedding lookup
    word_embeds = jnp.take(w_embeddings, words, axis=0)
    # forward_c: context embedding lookup (positive)
    context_embeds = jnp.take(c_embeddings, contexts, axis=0)
    # forward_c: context embedding lookup (negative samples)
    neg_context_embeds = jnp.take(c_embeddings, neg_contexts, axis=0)
    return (word_embeds, context_embeds, neg_context_embeds)

if __name__ == "__main__":
    import jax
    _d = setup_inputs()
    print(jax.jit(kernel)(*tuple(_d.values())))

</pallas_src>

<mosaic_0001>
#map = affine_map<(d0, d1) -> (0, 0, 0)>
#map1 = affine_map<(d0, d1) -> (0, 0)>
module attributes {stable_mosaic.version = 14 : i64} {
  func.func @_sc_gather(%arg0: i32, %arg1: i32, %arg2: memref<32x4x128xi32, #tpu.memory_space<hbm>>, %arg3: memref<32x4x128xi32, #tpu.memory_space<hbm>>, %arg4: memref<32x80x128xi32, #tpu.memory_space<hbm>>, %arg5: memref<100000x128xf32, #tpu.memory_space<hbm>>, %arg6: memref<100000x128xf32, #tpu.memory_space<hbm>>, %arg7: memref<16384x128xf32, #tpu.memory_space<hbm>>, %arg8: memref<16384x128xf32, #tpu.memory_space<hbm>>, %arg9: memref<327680x128xf32, #tpu.memory_space<hbm>>, %arg10: memref<4x128xi32, #tpu.memory_space<vmem>>, %arg11: memref<4x128xi32, #tpu.memory_space<vmem>>, %arg12: memref<80x128xi32, #tpu.memory_space<vmem>>, %arg13: memref<128x128xf32, #tpu.memory_space<vmem>>, %arg14: memref<128x128xf32, #tpu.memory_space<vmem>>, %arg15: memref<128x128xf32, #tpu.memory_space<vmem>>, %arg16: memref<128x128xf32, #tpu.memory_space<vmem>>, %arg17: memref<!tpu.dma_semaphore, #tpu.memory_space<semaphore_mem>>, %arg18: memref<!tpu.dma_semaphore, #tpu.memory_space<semaphore_mem>>, %arg19: memref<!tpu.dma_semaphore, #tpu.memory_space<semaphore_mem>>, %arg20: memref<!tpu.dma_semaphore, #tpu.memory_space<semaphore_mem>>) attributes {dimension_semantics = [#tpu.dimension_semantics<core_parallel>, #tpu.dimension_semantics<subcore_parallel>], iteration_bounds = array<i64: 2, 16>, scalar_prefetch = 0 : i64, scratch_operands = 11 : i64, tpu.core_type = #tpu.core_type<sc_vector_subcore>, window_params = [{transform_indices = #map}, {transform_indices = #map}, {transform_indices = #map}, {transform_indices = #map1}, {transform_indices = #map1}, {transform_indices = #map1}, {transform_indices = #map1}, {transform_indices = #map1}]} {
    %mul3A = arith.constant 2 : i32
    %mul3A_0 = arith.muli %arg1, %mul3A : i32
    %add3A = arith.addi %mul3A_0, %arg0 : i32
    "tpu.region"() ({
      %run_scoped3A = tpu.sem_alloc : memref<!tpu.dma_semaphore, #tpu.memory_space<semaphore_mem>>
      %dma_start3A_332 = arith.constant 0 : i32
      %dma_start3A_333 = arith.constant 0 : i32
      %dma_start3A_334 = tpu.memref_slice %arg2[%add3A, %dma_start3A_332, %dma_start3A_333] : memref<32x4x128xi32, #tpu.memory_space<hbm>> -> memref<1x4x128xi32, #tpu.memory_space<hbm>>
      %dma_start3A_335 = tpu.memref_squeeze %dma_start3A_334 : memref<1x4x128xi32, #tpu.memory_space<hbm>> -> memref<4x128xi32, #tpu.memory_space<hbm>>
      %dma_start3A_336 = arith.constant 0 : i32
      %dma_start3A_337 = arith.constant 0 : i32
      %dma_start3A_338 = tpu.memref_slice %arg2[%add3A, %dma_start3A_336, %dma_start3A_337] : memref<32x4x128xi32, #tpu.memory_space<hbm>> -> memref<1x4x128xi32, #tpu.memory_space<hbm>>
      %dma_start3A_339 = tpu.memref_squeeze %dma_start3A_338 : memref<1x4x128xi32, #tpu.memory_space<hbm>> -> memref<4x128xi32, #tpu.memory_space<hbm>>
      tpu.enqueue_dma source(%dma_start3A_339 : memref<4x128xi32, #tpu.memory_space<hbm>>) target(%arg10 : memref<4x128xi32, #tpu.memory_space<vmem>>) target_semaphore(%run_scoped3A : memref<!tpu.dma_semaphore, #tpu.memory_space<semaphore_mem>>)
      %dma_wait3A_340 = arith.constant 0 : i32
      %dma_wait3A_341 = arith.constant 0 : i32
      %dma_wait3A_342 = tpu.memref_slice %arg2[%add3A, %dma_wait3A_340, %dma_wait3A_341] : memref<32x4x128xi32, #tpu.memory_space<hbm>> -> memref<1x4x128xi32, #tpu.memory_space<hbm>>
      %dma_wait3A_343 = tpu.memref_squeeze %dma_wait3A_342 : memref<1x4x128xi32, #tpu.memory_space<hbm>> -> memref<4x128xi32, #tpu.memory_space<hbm>>
      %dma_wait3A_344 = arith.constant 0 : i32
      %dma_wait3A_345 = arith.constant 0 : i32
      %dma_wait3A_346 = tpu.memref_slice %arg2[%add3A, %dma_wait3A_344, %dma_wait3A_345] : memref<32x4x128xi32, #tpu.memory_space<hbm>> -> memref<1x4x128xi32, #tpu.memory_space<hbm>>
      %dma_wait3A_347 = tpu.memref_squeeze %dma_wait3A_346 : memref<1x4x128xi32, #tpu.memory_space<hbm>> -> memref<4x128xi32, #tpu.memory_space<hbm>>
      tpu.wait_dma2 semaphore(%run_scoped3A : memref<!tpu.dma_semaphore, #tpu.memory_space<semaphore_mem>>) src(%dma_wait3A_347 : memref<4x128xi32, #tpu.memory_space<hbm>>) dst(%arg10 : memref<4x128xi32, #tpu.memory_space<vmem>>)
      tpu.yield
    }) : () -> ()
    "tpu.region"() ({
      %run_scoped3A = tpu.sem_alloc : memref<!tpu.dma_semaphore, #tpu.memory_space<semaphore_mem>>
      %dma_start3A_332 = arith.constant 0 : i32
      %dma_start3A_333 = arith.constant 0 : i32
      %dma_start3A_334 = tpu.memref_slice %arg3[%add3A, %dma_start3A_332, %dma_start3A_333] : memref<32x4x128xi32, #tpu.memory_space<hbm>> -> memref<1x4x128xi32, #tpu.memory_space<hbm>>
      %dma_start3A_335 = tpu.memref_squeeze %dma_start3A_334 : memref<1x4x128xi32, #tpu.memory_space<hbm>> -> memref<4x128xi32, #tpu.memory_space<hbm>>
      %dma_start3A_336 = arith.constant 0 : i32
      %dma_start3A_337 = arith.constant 0 : i32
      %dma_start3A_338 = tpu.memref_slice %arg3[%add3A, %dma_start3A_336, %dma_start3A_337] : memref<32x4x128xi32, #tpu.memory_space<hbm>> -> memref<1x4x128xi32, #tpu.memory_space<hbm>>
      %dma_start3A_339 = tpu.memref_squeeze %dma_start3A_338 : memref<1x4x128xi32, #tpu.memory_space<hbm>> -> memref<4x128xi32, #tpu.memory_space<hbm>>
      tpu.enqueue_dma source(%dma_start3A_339 : memref<4x128xi32, #tpu.memory_space<hbm>>) target(%arg11 : memref<4x128xi32, #tpu.memory_space<vmem>>) target_semaphore(%run_scoped3A : memref<!tpu.dma_semaphore, #tpu.memory_space<semaphore_mem>>)
      %dma_wait3A_340 = arith.constant 0 : i32
      %dma_wait3A_341 = arith.constant 0 : i32
      %dma_wait3A_342 = tpu.memref_slice %arg3[%add3A, %dma_wait3A_340, %dma_wait3A_341] : memref<32x4x128xi32, #tpu.memory_space<hbm>> -> memref<1x4x128xi32, #tpu.memory_space<hbm>>
      %dma_wait3A_343 = tpu.memref_squeeze %dma_wait3A_342 : memref<1x4x128xi32, #tpu.memory_space<hbm>> -> memref<4x128xi32, #tpu.memory_space<hbm>>
      %dma_wait3A_344 = arith.constant 0 : i32
      %dma_wait3A_345 = arith.constant 0 : i32
      %dma_wait3A_346 = tpu.memref_slice %arg3[%add3A, %dma_wait3A_344, %dma_wait3A_345] : memref<32x4x128xi32, #tpu.memory_space<hbm>> -> memref<1x4x128xi32, #tpu.memory_space<hbm>>
      %dma_wait3A_347 = tpu.memref_squeeze %dma_wait3A_346 : memref<1x4x128xi32, #tpu.memory_space<hbm>> -> memref<4x128xi32, #tpu.memory_space<hbm>>
      tpu.wait_dma2 semaphore(%run_scoped3A : memref<!tpu.dma_semaphore, #tpu.memory_space<semaphore_mem>>) src(%dma_wait3A_347 : memref<4x128xi32, #tpu.memory_space<hbm>>) dst(%arg11 : memref<4x128xi32, #tpu.memory_space<vmem>>)
      tpu.yield
    }) : () -> ()
    "tpu.region"() ({
      %run_scoped3A = tpu.sem_alloc : memref<!tpu.dma_semaphore, #tpu.memory_space<semaphore_mem>>
      %dma_start3A_332 = arith.constant 0 : i32
      %dma_start3A_333 = arith.constant 0 : i32
      %dma_start3A_334 = tpu.memref_slice %arg4[%add3A, %dma_start3A_332, %dma_start3A_333] : memref<32x80x128xi32, #tpu.memory_space<hbm>> -> memref<1x80x128xi32, #tpu.memory_space<hbm>>
      %dma_start3A_335 = tpu.memref_squeeze %dma_start3A_334 : memref<1x80x128xi32, #tpu.memory_space<hbm>> -> memref<80x128xi32, #tpu.memory_space<hbm>>
      %dma_start3A_336 = arith.constant 0 : i32
      %dma_start3A_337 = arith.constant 0 : i32
      %dma_start3A_338 = tpu.memref_slice %arg4[%add3A, %dma_start3A_336, %dma_start3A_337] : memref<32x80x128xi32, #tpu.memory_space<hbm>> -> memref<1x80x128xi32, #tpu.memory_space<hbm>>
      %dma_start3A_339 = tpu.memref_squeeze %dma_start3A_338 : memref<1x80x128xi32, #tpu.memory_space<hbm>> -> memref<80x128xi32, #tpu.memory_space<hbm>>
      tpu.enqueue_dma source(%dma_start3A_339 : memref<80x128xi32, #tpu.memory_space<hbm>>) target(%arg12 : memref<80x128xi32, #tpu.memory_space<vmem>>) target_semaphore(%run_scoped3A : memref<!tpu.dma_semaphore, #tpu.memory_space<semaphore_mem>>)
      %dma_wait3A_340 = arith.constant 0 : i32
      %dma_wait3A_341 = arith.constant 0 : i32
      %dma_wait3A_342 = tpu.memref_slice %arg4[%add3A, %dma_wait3A_340, %dma_wait3A_341] : memref<32x80x128xi32, #tpu.memory_space<hbm>> -> memref<1x80x128xi32, #tpu.memory_space<hbm>>
      %dma_wait3A_343 = tpu.memref_squeeze %dma_wait3A_342 : memref<1x80x128xi32, #tpu.memory_space<hbm>> -> memref<80x128xi32, #tpu.memory_space<hbm>>
      %dma_wait3A_344 = arith.constant 0 : i32
      %dma_wait3A_345 = arith.constant 0 : i32
      %dma_wait3A_346 = tpu.memref_slice %arg4[%add3A, %dma_wait3A_344, %dma_wait3A_345] : memref<32x80x128xi32, #tpu.memory_space<hbm>> -> memref<1x80x128xi32, #tpu.memory_space<hbm>>
      %dma_wait3A_347 = tpu.memref_squeeze %dma_wait3A_346 : memref<1x80x128xi32, #tpu.memory_space<hbm>> -> memref<80x128xi32, #tpu.memory_space<hbm>>
      tpu.wait_dma2 semaphore(%run_scoped3A : memref<!tpu.dma_semaphore, #tpu.memory_space<semaphore_mem>>) src(%dma_wait3A_347 : memref<80x128xi32, #tpu.memory_space<hbm>>) dst(%arg12 : memref<80x128xi32, #tpu.memory_space<vmem>>)
      tpu.yield
    }) : () -> ()
    %mul3A_1 = arith.constant 512 : i32
    %mul3A_2 = arith.muli %add3A, %mul3A_1 : i32
    %dma_start3A = arith.constant 0 : i32
    %dma_start3A_3 = arith.constant 0 : i32
    %dma_start3A_4 = tpu.memref_slice %arg10[%dma_start3A, %dma_start3A_3] : memref<4x128xi32, #tpu.memory_space<vmem>> -> memref<1x128xi32, #tpu.memory_space<vmem>>
    %dma_start3A_5 = tpu.memref_squeeze %dma_start3A_4 : memref<1x128xi32, #tpu.memory_space<vmem>> -> memref<128xi32, #tpu.memory_space<vmem>>
    %dma_start3A_6 = arith.constant 0 : i32
    %dma_start3A_7 = arith.constant 0 : i32
    %dma_start3A_8 = tpu.memref_slice %arg5[%dma_start3A_6, %dma_start3A_7] : memref<100000x128xf32, #tpu.memory_space<hbm>> -> memref<100000x128xf32, #tpu.memory_space<hbm>>
    tpu.enqueue_indirect_dma source(%dma_start3A_8 : memref<100000x128xf32, #tpu.memory_space<hbm>>) target(%arg13 : memref<128x128xf32, #tpu.memory_space<vmem>>) offsets(%dma_start3A_5 : memref<128xi32, #tpu.memory_space<vmem>>) semaphore(%arg17 : memref<!tpu.dma_semaphore, #tpu.memory_space<semaphore_mem>>)
    %dma_start3A_9 = arith.constant 1 : i32
    %dma_start3A_10 = arith.constant 0 : i32
    %dma_start3A_11 = tpu.memref_slice %arg10[%dma_start3A_9, %dma_start3A_10] : memref<4x128xi32, #tpu.memory_space<vmem>> -> memref<1x128xi32, #tpu.memory_space<vmem>>
    %dma_start3A_12 = tpu.memref_squeeze %dma_start3A_11 : memref<1x128xi32, #tpu.memory_space<vmem>> -> memref<128xi32, #tpu.memory_space<vmem>>
    %dma_start3A_13 = arith.constant 0 : i32
    %dma_start3A_14 = arith.constant 0 : i32
    %dma_start3A_15 = tpu.memref_slice %arg5[%dma_start3A_13, %dma_start3A_14] : memref<100000x128xf32, #tpu.memory_space<hbm>> -> memref<100000x128xf32, #tpu.memory_space<hbm>>
    tpu.enqueue_indirect_dma source(%dma_start3A_15 : memref<100000x128xf32, #tpu.memory_space<hbm>>) target(%arg14 : memref<128x128xf32, #tpu.memory_space<vmem>>) offsets(%dma_start3A_12 : memref<128xi32, #tpu.memory_space<vmem>>) semaphore(%arg17 : memref<!tpu.dma_semaphore, #tpu.memory_space<semaphore_mem>>)
    %dma_start3A_16 = arith.constant 2 : i32
    %dma_start3A_17 = arith.constant 0 : i32
    %dma_start3A_18 = tpu.memref_slice %arg10[%dma_start3A_16, %dma_start3A_17] : memref<4x128xi32, #tpu.memory_space<vmem>> -> memref<1x128xi32, #tpu.memory_space<vmem>>
    %dma_start3A_19 = tpu.memref_squeeze %dma_start3A_18 : memref<1x128xi32, #tpu.memory_space<vmem>> -> memref<128xi32, #tpu.memory_space<vmem>>
    %dma_start3A_20 = arith.constant 0 : i32
    %dma_start3A_21 = arith.constant 0 : i32
    %dma_start3A_22 = tpu.memref_slice %arg5[%dma_start3A_20, %dma_start3A_21] : memref<100000x128xf32, #tpu.memory_space<hbm>> -> memref<100000x128xf32, #tpu.memory_space<hbm>>
    tpu.enqueue_indirect_dma source(%dma_start3A_22 : memref<100000x128xf32, #tpu.memory_space<hbm>>) target(%arg15 : memref<128x128xf32, #tpu.memory_space<vmem>>) offsets(%dma_start3A_19 : memref<128xi32, #tpu.memory_space<vmem>>) semaphore(%arg18 : memref<!tpu.dma_semaphore, #tpu.memory_space<semaphore_mem>>)
    %dma_start3A_23 = arith.constant 3 : i32
    %dma_start3A_24 = arith.constant 0 : i32
    %dma_start3A_25 = tpu.memref_slice %arg10[%dma_start3A_23, %dma_start3A_24] : memref<4x128xi32, #tpu.memory_space<vmem>> -> memref<1x128xi32, #tpu.memory_space<vmem>>
    %dma_start3A_26 = tpu.memref_squeeze %dma_start3A_25 : memref<1x128xi32, #tpu.memory_space<vmem>> -> memref<128xi32, #tpu.memory_space<vmem>>
    %dma_start3A_27 = arith.constant 0 : i32
    %dma_start3A_28 = arith.constant 0 : i32
    %dma_start3A_29 = tpu.memref_slice %arg5[%dma_start3A_27, %dma_start3A_28] : memref<100000x128xf32, #tpu.memory_space<hbm>> -> memref<100000x128xf32, #tpu.memory_space<hbm>>
    tpu.enqueue_indirect_dma source(%dma_start3A_29 : memref<100000x128xf32, #tpu.memory_space<hbm>>) target(%arg16 : memref<128x128xf32, #tpu.memory_space<vmem>>) offsets(%dma_start3A_26 : memref<128xi32, #tpu.memory_space<vmem>>) semaphore(%arg18 : memref<!tpu.dma_semaphore, #tpu.memory_space<semaphore_mem>>)
    %scan3A = arith.constant 0 : i32
    %scan3A_30 = arith.constant 0 : i32
    %scan3A_31 = arith.constant 0 : i32
    %scan3A_32 = arith.addi %scan3A_30, %scan3A_31 : i32
    %scan3A_33 = arith.constant 0 : i32
    %dma_wait3A = arith.constant 0 : i32
    %dma_wait3A_34 = arith.constant 0 : i32
    %dma_wait3A_35 = tpu.memref_slice %arg10[%dma_wait3A, %dma_wait3A_34] : memref<4x128xi32, #tpu.memory_space<vmem>> -> memref<1x128xi32, #tpu.memory_space<vmem>>
    %dma_wait3A_36 = tpu.memref_squeeze %dma_wait3A_35 : memref<1x128xi32, #tpu.memory_space<vmem>> -> memref<128xi32, #tpu.memory_space<vmem>>
    %dma_wait3A_37 = arith.constant 0 : i32
    %dma_wait3A_38 = arith.constant 0 : i32
    %dma_wait3A_39 = tpu.memref_slice %arg5[%dma_wait3A_37, %dma_wait3A_38] : memref<100000x128xf32, #tpu.memory_space<hbm>> -> memref<100000x128xf32, #tpu.memory_space<hbm>>
    tpu.wait_indirect_dma semaphore(%arg17 : memref<!tpu.dma_semaphore, #tpu.memory_space<semaphore_mem>>) src(%dma_wait3A_39 : memref<100000x128xf32, #tpu.memory_space<hbm>>) dst(%arg13 : memref<128x128xf32, #tpu.memory_space<vmem>>)
    %dma_wait3A_40 = arith.constant 1 : i32
    %dma_wait3A_41 = arith.constant 0 : i32
    %dma_wait3A_42 = tpu.memref_slice %arg10[%dma_wait3A_40, %dma_wait3A_41] : memref<4x128xi32, #tpu.memory_space<vmem>> -> memref<1x128xi32, #tpu.memory_space<vmem>>
    %dma_wait3A_43 = tpu.memref_squeeze %dma_wait3A_42 : memref<1x128xi32, #tpu.memory_space<vmem>> -> memref<128xi32, #tpu.memory_space<vmem>>
    %dma_wait3A_44 = arith.constant 0 : i32
    %dma_wait3A_45 = arith.constant 0 : i32
    %dma_wait3A_46 = tpu.memref_slice %arg5[%dma_wait3A_44, %dma_wait3A_45] : memref<100000x128xf32, #tpu.memory_space<hbm>> -> memref<100000x128xf32, #tpu.memory_space<hbm>>
    tpu.wait_indirect_dma semaphore(%arg17 : memref<!tpu.dma_semaphore, #tpu.memory_space<semaphore_mem>>) src(%dma_wait3A_46 : memref<100000x128xf32, #tpu.memory_space<hbm>>) dst(%arg14 : memref<128x128xf32, #tpu.memory_space<vmem>>)
    %add3A_47 = arith.constant 0 : i32
    %add3A_48 = arith.addi %mul3A_2, %add3A_47 : i32
    %dma_start3A_49 = arith.constant 0 : i32
    %dma_start3A_50 = tpu.memref_slice %arg7[%add3A_48, %dma_start3A_49] : memref<16384x128xf32, #tpu.memory_space<hbm>> -> memref<128x128xf32, #tpu.memory_space<hbm>>
    %dma_start3A_51 = arith.constant 0 : i32
    %dma_start3A_52 = tpu.memref_slice %arg7[%add3A_48, %dma_start3A_51] : memref<16384x128xf32, #tpu.memory_space<hbm>> -> memref<128x128xf32, #tpu.memory_space<hbm>>
    tpu.enqueue_dma source(%arg13 : memref<128x128xf32, #tpu.memory_space<vmem>>) target(%dma_start3A_52 : memref<128x128xf32, #tpu.memory_space<hbm>>) target_semaphore(%arg19 : memref<!tpu.dma_semaphore, #tpu.memory_space<semaphore_mem>>)
    %add3A_53 = arith.constant 128 : i32
    %add3A_54 = arith.addi %mul3A_2, %add3A_53 : i32
    %dma_start3A_55 = arith.constant 0 : i32
    %dma_start3A_56 = tpu.memref_slice %arg7[%add3A_54, %dma_start3A_55] : memref<16384x128xf32, #tpu.memory_space<hbm>> -> memref<128x128xf32, #tpu.memory_space<hbm>>
    %dma_start3A_57 = arith.constant 0 : i32
    %dma_start3A_58 = tpu.memref_slice %arg7[%add3A_54, %dma_start3A_57] : memref<16384x128xf32, #tpu.memory_space<hbm>> -> memref<128x128xf32, #tpu.memory_space<hbm>>
    tpu.enqueue_dma source(%arg14 : memref<128x128xf32, #tpu.memory_space<vmem>>) target(%dma_start3A_58 : memref<128x128xf32, #tpu.memory_space<hbm>>) target_semaphore(%arg19 : memref<!tpu.dma_semaphore, #tpu.memory_space<semaphore_mem>>)
    %dma_wait3A_59 = arith.constant 2 : i32
    %dma_wait3A_60 = arith.constant 0 : i32
    %dma_wait3A_61 = tpu.memref_slice %arg10[%dma_wait3A_59, %dma_wait3A_60] : memref<4x128xi32, #tpu.memory_space<vmem>> -> memref<1x128xi32, #tpu.memory_space<vmem>>
    %dma_wait3A_62 = tpu.memref_squeeze %dma_wait3A_61 : memref<1x128xi32, #tpu.memory_space<vmem>> -> memref<128xi32, #tpu.memory_space<vmem>>
    %dma_wait3A_63 = arith.constant 0 : i32
    %dma_wait3A_64 = arith.constant 0 : i32
    %dma_wait3A_65 = tpu.memref_slice %arg5[%dma_wait3A_63, %dma_wait3A_64] : memref<100000x128xf32, #tpu.memory_space<hbm>> -> memref<100000x128xf32, #tpu.memory_space<hbm>>
    tpu.wait_indirect_dma semaphore(%arg18 : memref<!tpu.dma_semaphore, #tpu.memory_space<semaphore_mem>>) src(%dma_wait3A_65 : memref<100000x128xf32, #tpu.memory_space<hbm>>) dst(%arg15 : memref<128x128xf32, #tpu.memory_space<vmem>>)
    %dma_wait3A_66 = arith.constant 3 : i32
    %dma_wait3A_67 = arith.constant 0 : i32
    %dma_wait3A_68 = tpu.memref_slice %arg10[%dma_wait3A_66, %dma_wait3A_67] : memref<4x128xi32, #tpu.memory_space<vmem>> -> memref<1x128xi32, #tpu.memory_space<vmem>>
    %dma_wait3A_69 = tpu.memref_squeeze %dma_wait3A_68 : memref<1x128xi32, #tpu.memory_space<vmem>> -> memref<128xi32, #tpu.memory_space<vmem>>
    %dma_wait3A_70 = arith.constant 0 : i32
    %dma_wait3A_71 = arith.constant 0 : i32
    %dma_wait3A_72 = tpu.memref_slice %arg5[%dma_wait3A_70, %dma_wait3A_71] : memref<100000x128xf32, #tpu.memory_space<hbm>> -> memref<100000x128xf32, #tpu.memory_space<hbm>>
    tpu.wait_indirect_dma semaphore(%arg18 : memref<!tpu.dma_semaphore, #tpu.memory_space<semaphore_mem>>) src(%dma_wait3A_72 : memref<100000x128xf32, #tpu.memory_space<hbm>>) dst(%arg16 : memref<128x128xf32, #tpu.memory_space<vmem>>)
    %add3A_73 = arith.constant 256 : i32
    %add3A_74 = arith.addi %mul3A_2, %add3A_73 : i32
    %dma_start3A_75 = arith.constant 0 : i32
    %dma_start3A_76 = tpu.memref_slice %arg7[%add3A_74, %dma_start3A_75] : memref<16384x128xf32, #tpu.memory_space<hbm>> -> memref<128x128xf32, #tpu.memory_space<hbm>>
    %dma_start3A_77 = arith.constant 0 : i32
    %dma_start3A_78 = tpu.memref_slice %arg7[%add3A_74, %dma_start3A_77] : memref<16384x128xf32, #tpu.memory_space<hbm>> -> memref<128x128xf32, #tpu.memory_space<hbm>>
    tpu.enqueue_dma source(%arg15 : memref<128x128xf32, #tpu.memory_space<vmem>>) target(%dma_start3A_78 : memref<128x128xf32, #tpu.memory_space<hbm>>) target_semaphore(%arg20 : memref<!tpu.dma_semaphore, #tpu.memory_space<semaphore_mem>>)
    %add3A_79 = arith.constant 384 : i32
    %add3A_80 = arith.addi %mul3A_2, %add3A_79 : i32
    %dma_start3A_81 = arith.constant 0 : i32
    %dma_start3A_82 = tpu.memref_slice %arg7[%add3A_80, %dma_start3A_81] : memref<16384x128xf32, #tpu.memory_space<hbm>> -> memref<128x128xf32, #tpu.memory_space<hbm>>
    %dma_start3A_83 = arith.constant 0 : i32
    %dma_start3A_84 = tpu.memref_slice %arg7[%add3A_80, %dma_start3A_83] : memref<16384x128xf32, #tpu.memory_space<hbm>> -> memref<128x128xf32, #tpu.memory_space<hbm>>
    tpu.enqueue_dma source(%arg16 : memref<128x128xf32, #tpu.memory_space<vmem>>) target(%dma_start3A_84 : memref<128x128xf32, #tpu.memory_space<hbm>>) target_semaphore(%arg20 : memref<!tpu.dma_semaphore, #tpu.memory_space<semaphore_mem>>)
    %add3A_85 = arith.constant 0 : i32
    %add3A_86 = arith.addi %mul3A_2, %add3A_85 : i32
    %dma_wait3A_87 = arith.constant 0 : i32
    %dma_wait3A_88 = tpu.memref_slice %arg7[%add3A_86, %dma_wait3A_87] : memref<16384x128xf32, #tpu.memory_space<hbm>> -> memref<128x128xf32, #tpu.memory_space<hbm>>
    %dma_wait3A_89 = arith.constant 0 : i32
    %dma_wait3A_90 = tpu.memref_slice %arg7[%add3A_86, %dma_wait3A_89] : memref<16384x128xf32, #tpu.memory_space<hbm>> -> memref<128x128xf32, #tpu.memory_space<hbm>>
    tpu.wait_dma2 semaphore(%arg19 : memref<!tpu.dma_semaphore, #tpu.memory_space<semaphore_mem>>) src(%arg13 : memref<128x128xf32, #tpu.memory_space<vmem>>) dst(%dma_wait3A_90 : memref<128x128xf32, #tpu.memory_space<hbm>>)
    %add3A_91 = arith.constant 128 : i32
    %add3A_92 = arith.addi %mul3A_2, %add3A_91 : i32
    %dma_wait3A_93 = arith.constant 0 : i32
    %dma_wait3A_94 = tpu.memref_slice %arg7[%add3A_92, %dma_wait3A_93] : memref<16384x128xf32, #tpu.memory_space<hbm>> -> memref<128x128xf32, #tpu.memory_space<hbm>>
    %dma_wait3A_95 = arith.constant 0 : i32
    %dma_wait3A_96 = tpu.memref_slice %arg7[%add3A_92, %dma_wait3A_95] : memref<16384x128xf32, #tpu.memory_space<hbm>> -> memref<128x128xf32, #tpu.memory_space<hbm>>
    tpu.wait_dma2 semaphore(%arg19 : memref<!tpu.dma_semaphore, #tpu.memory_space<semaphore_mem>>) src(%arg14 : memref<128x128xf32, #tpu.memory_space<vmem>>) dst(%dma_wait3A_96 : memref<128x128xf32, #tpu.memory_space<hbm>>)
    %add3A_97 = arith.constant 256 : i32
    %add3A_98 = arith.addi %mul3A_2, %add3A_97 : i32
    %dma_wait3A_99 = arith.constant 0 : i32
    %dma_wait3A_100 = tpu.memref_slice %arg7[%add3A_98, %dma_wait3A_99] : memref<16384x128xf32, #tpu.memory_space<hbm>> -> memref<128x128xf32, #tpu.memory_space<hbm>>
    %dma_wait3A_101 = arith.constant 0 : i32
    %dma_wait3A_102 = tpu.memref_slice %arg7[%add3A_98, %dma_wait3A_101] : memref<16384x128xf32, #tpu.memory_space<hbm>> -> memref<128x128xf32, #tpu.memory_space<hbm>>
    tpu.wait_dma2 semaphore(%arg20 : memref<!tpu.dma_semaphore, #tpu.memory_space<semaphore_mem>>) src(%arg15 : memref<128x128xf32, #tpu.memory_space<vmem>>) dst(%dma_wait3A_102 : memref<128x128xf32, #tpu.memory_space<hbm>>)
    %add3A_103 = arith.constant 384 : i32
    %add3A_104 = arith.addi %mul3A_2, %add3A_103 : i32
    %dma_wait3A_105 = arith.constant 0 : i32
    %dma_wait3A_106 = tpu.memref_slice %arg7[%add3A_104, %dma_wait3A_105] : memref<16384x128xf32, #tpu.memory_space<hbm>> -> memref<128x128xf32, #tpu.memory_space<hbm>>
    %dma_wait3A_107 = arith.constant 0 : i32
    %dma_wait3A_108 = tpu.memref_slice %arg7[%add3A_104, %dma_wait3A_107] : memref<16384x128xf32, #tpu.memory_space<hbm>> -> memref<128x128xf32, #tpu.memory_space<hbm>>
    tpu.wait_dma2 semaphore(%arg20 : memref<!tpu.dma_semaphore, #tpu.memory_space<semaphore_mem>>) src(%arg16 : memref<128x128xf32, #tpu.memory_space<vmem>>) dst(%dma_wait3A_108 : memref<128x128xf32, #tpu.memory_space<hbm>>)
    %mul3A_109 = arith.constant 512 : i32
    %mul3A_110 = arith.muli %add3A, %mul3A_109 : i32
    %dma_start3A_111 = arith.constant 0 : i32
    %dma_start3A_112 = arith.constant 0 : i32
    %dma_start3A_113 = tpu.memref_slice %arg11[%dma_start3A_111, %dma_start3A_112] : memref<4x128xi32, #tpu.memory_space<vmem>> -> memref<1x128xi32, #tpu.memory_space<vmem>>
    %dma_start3A_114 = tpu.memref_squeeze %dma_start3A_113 : memref<1x128xi32, #tpu.memory_space<vmem>> -> memref<128xi32, #tpu.memory_space<vmem>>
    %dma_start3A_115 = arith.constant 0 : i32
    %dma_start3A_116 = arith.constant 0 : i32
    %dma_start3A_117 = tpu.memref_slice %arg6[%dma_start3A_115, %dma_start3A_116] : memref<100000x128xf32, #tpu.memory_space<hbm>> -> memref<100000x128xf32, #tpu.memory_space<hbm>>
    tpu.enqueue_indirect_dma source(%dma_start3A_117 : memref<100000x128xf32, #tpu.memory_space<hbm>>) target(%arg13 : memref<128x128xf32, #tpu.memory_space<vmem>>) offsets(%dma_start3A_114 : memref<128xi32, #tpu.memory_space<vmem>>) semaphore(%arg17 : memref<!tpu.dma_semaphore, #tpu.memory_space<semaphore_mem>>)
    %dma_start3A_118 = arith.constant 1 : i32
    %dma_start3A_119 = arith.constant 0 : i32
    %dma_start3A_120 = tpu.memref_slice %arg11[%dma_start3A_118, %dma_start3A_119] : memref<4x128xi32, #tpu.memory_space<vmem>> -> memref<1x128xi32, #tpu.memory_space<vmem>>
    %dma_start3A_121 = tpu.memref_squeeze %dma_start3A_120 : memref<1x128xi32, #tpu.memory_space<vmem>> -> memref<128xi32, #tpu.memory_space<vmem>>
    %dma_start3A_122 = arith.constant 0 : i32
    %dma_start3A_123 = arith.constant 0 : i32
    %dma_start3A_124 = tpu.memref_slice %arg6[%dma_start3A_122, %dma_start3A_123] : memref<100000x128xf32, #tpu.memory_space<hbm>> -> memref<100000x128xf32, #tpu.memory_space<hbm>>
    tpu.enqueue_indirect_dma source(%dma_start3A_124 : memref<100000x128xf32, #tpu.memory_space<hbm>>) target(%arg14 : memref<128x128xf32, #tpu.memory_space<vmem>>) offsets(%dma_start3A_121 : memref<128xi32, #tpu.memory_space<vmem>>) semaphore(%arg17 : memref<!tpu.dma_semaphore, #tpu.memory_space<semaphore_mem>>)
    %dma_start3A_125 = arith.constant 2 : i32
    %dma_start3A_126 = arith.constant 0 : i32
    %dma_start3A_127 = tpu.memref_slice %arg11[%dma_start3A_125, %dma_start3A_126] : memref<4x128xi32, #tpu.memory_space<vmem>> -> memref<1x128xi32, #tpu.memory_space<vmem>>
    %dma_start3A_128 = tpu.memref_squeeze %dma_start3A_127 : memref<1x128xi32, #tpu.memory_space<vmem>> -> memref<128xi32, #tpu.memory_space<vmem>>
    %dma_start3A_129 = arith.constant 0 : i32
    %dma_start3A_130 = arith.constant 0 : i32
    %dma_start3A_131 = tpu.memref_slice %arg6[%dma_start3A_129, %dma_start3A_130] : memref<100000x128xf32, #tpu.memory_space<hbm>> -> memref<100000x128xf32, #tpu.memory_space<hbm>>
    tpu.enqueue_indirect_dma source(%dma_start3A_131 : memref<100000x128xf32, #tpu.memory_space<hbm>>) target(%arg15 : memref<128x128xf32, #tpu.memory_space<vmem>>) offsets(%dma_start3A_128 : memref<128xi32, #tpu.memory_space<vmem>>) semaphore(%arg18 : memref<!tpu.dma_semaphore, #tpu.memory_space<semaphore_mem>>)
    %dma_start3A_132 = arith.constant 3 : i32
    %dma_start3A_133 = arith.constant 0 : i32
    %dma_start3A_134 = tpu.memref_slice %arg11[%dma_start3A_132, %dma_start3A_133] : memref<4x128xi32, #tpu.memory_space<vmem>> -> memref<1x128xi32, #tpu.memory_space<vmem>>
    %dma_start3A_135 = tpu.memref_squeeze %dma_start3A_134 : memref<1x128xi32, #tpu.memory_space<vmem>> -> memref<128xi32, #tpu.memory_space<vmem>>
    %dma_start3A_136 = arith.constant 0 : i32
    %dma_start3A_137 = arith.constant 0 : i32
    %dma_start3A_138 = tpu.memref_slice %arg6[%dma_start3A_136, %dma_start3A_137] : memref<100000x128xf32, #tpu.memory_space<hbm>> -> memref<100000x128xf32, #tpu.memory_space<hbm>>
    tpu.enqueue_indirect_dma source(%dma_start3A_138 : memref<100000x128xf32, #tpu.memory_space<hbm>>) target(%arg16 : memref<128x128xf32, #tpu.memory_space<vmem>>) offsets(%dma_start3A_135 : memref<128xi32, #tpu.memory_space<vmem>>) semaphore(%arg18 : memref<!tpu.dma_semaphore, #tpu.memory_space<semaphore_mem>>)
    %scan3A_139 = arith.constant 0 : i32
    %scan3A_140 = arith.constant 0 : i32
    %scan3A_141 = arith.constant 0 : i32
    %scan3A_142 = arith.addi %scan3A_140, %scan3A_141 : i32
    %scan3A_143 = arith.constant 0 : i32
    %dma_wait3A_144 = arith.constant 0 : i32
    %dma_wait3A_145 = arith.constant 0 : i32
    %dma_wait3A_146 = tpu.memref_slice %arg11[%dma_wait3A_144, %dma_wait3A_145] : memref<4x128xi32, #tpu.memory_space<vmem>> -> memref<1x128xi32, #tpu.memory_space<vmem>>
    %dma_wait3A_147 = tpu.memref_squeeze %dma_wait3A_146 : memref<1x128xi32, #tpu.memory_space<vmem>> -> memref<128xi32, #tpu.memory_space<vmem>>
    %dma_wait3A_148 = arith.constant 0 : i32
    %dma_wait3A_149 = arith.constant 0 : i32
    %dma_wait3A_150 = tpu.memref_slice %arg6[%dma_wait3A_148, %dma_wait3A_149] : memref<100000x128xf32, #tpu.memory_space<hbm>> -> memref<100000x128xf32, #tpu.memory_space<hbm>>
    tpu.wait_indirect_dma semaphore(%arg17 : memref<!tpu.dma_semaphore, #tpu.memory_space<semaphore_mem>>) src(%dma_wait3A_150 : memref<100000x128xf32, #tpu.memory_space<hbm>>) dst(%arg13 : memref<128x128xf32, #tpu.memory_space<vmem>>)
    %dma_wait3A_151 = arith.constant 1 : i32
    %dma_wait3A_152 = arith.constant 0 : i32
    %dma_wait3A_153 = tpu.memref_slice %arg11[%dma_wait3A_151, %dma_wait3A_152] : memref<4x128xi32, #tpu.memory_space<vmem>> -> memref<1x128xi32, #tpu.memory_space<vmem>>
    %dma_wait3A_154 = tpu.memref_squeeze %dma_wait3A_153 : memref<1x128xi32, #tpu.memory_space<vmem>> -> memref<128xi32, #tpu.memory_space<vmem>>
    %dma_wait3A_155 = arith.constant 0 : i32
    %dma_wait3A_156 = arith.constant 0 : i32
    %dma_wait3A_157 = tpu.memref_slice %arg6[%dma_wait3A_155, %dma_wait3A_156] : memref<100000x128xf32, #tpu.memory_space<hbm>> -> memref<100000x128xf32, #tpu.memory_space<hbm>>
    tpu.wait_indirect_dma semaphore(%arg17 : memref<!tpu.dma_semaphore, #tpu.memory_space<semaphore_mem>>) src(%dma_wait3A_157 : memref<100000x128xf32, #tpu.memory_space<hbm>>) dst(%arg14 : memref<128x128xf32, #tpu.memory_space<vmem>>)
    %add3A_158 = arith.constant 0 : i32
    %add3A_159 = arith.addi %mul3A_110, %add3A_158 : i32
    %dma_start3A_160 = arith.constant 0 : i32
    %dma_start3A_161 = tpu.memref_slice %arg8[%add3A_159, %dma_start3A_160] : memref<16384x128xf32, #tpu.memory_space<hbm>> -> memref<128x128xf32, #tpu.memory_space<hbm>>
    %dma_start3A_162 = arith.constant 0 : i32
    %dma_start3A_163 = tpu.memref_slice %arg8[%add3A_159, %dma_start3A_162] : memref<16384x128xf32, #tpu.memory_space<hbm>> -> memref<128x128xf32, #tpu.memory_space<hbm>>
    tpu.enqueue_dma source(%arg13 : memref<128x128xf32, #tpu.memory_space<vmem>>) target(%dma_start3A_163 : memref<128x128xf32, #tpu.memory_space<hbm>>) target_semaphore(%arg19 : memref<!tpu.dma_semaphore, #tpu.memory_space<semaphore_mem>>)
    %add3A_164 = arith.constant 128 : i32
    %add3A_165 = arith.addi %mul3A_110, %add3A_164 : i32
    %dma_start3A_166 = arith.constant 0 : i32
    %dma_start3A_167 = tpu.memref_slice %arg8[%add3A_165, %dma_start3A_166] : memref<16384x128xf32, #tpu.memory_space<hbm>> -> memref<128x128xf32, #tpu.memory_space<hbm>>
    %dma_start3A_168 = arith.constant 0 : i32
    %dma_start3A_169 = tpu.memref_slice %arg8[%add3A_165, %dma_start3A_168] : memref<16384x128xf32, #tpu.memory_space<hbm>> -> memref<128x128xf32, #tpu.memory_space<hbm>>
    tpu.enqueue_dma source(%arg14 : memref<128x128xf32, #tpu.memory_space<vmem>>) target(%dma_start3A_169 : memref<128x128xf32, #tpu.memory_space<hbm>>) target_semaphore(%arg19 : memref<!tpu.dma_semaphore, #tpu.memory_space<semaphore_mem>>)
    %dma_wait3A_170 = arith.constant 2 : i32
    %dma_wait3A_171 = arith.constant 0 : i32
    %dma_wait3A_172 = tpu.memref_slice %arg11[%dma_wait3A_170, %dma_wait3A_171] : memref<4x128xi32, #tpu.memory_space<vmem>> -> memref<1x128xi32, #tpu.memory_space<vmem>>
    %dma_wait3A_173 = tpu.memref_squeeze %dma_wait3A_172 : memref<1x128xi32, #tpu.memory_space<vmem>> -> memref<128xi32, #tpu.memory_space<vmem>>
    %dma_wait3A_174 = arith.constant 0 : i32
    %dma_wait3A_175 = arith.constant 0 : i32
    %dma_wait3A_176 = tpu.memref_slice %arg6[%dma_wait3A_174, %dma_wait3A_175] : memref<100000x128xf32, #tpu.memory_space<hbm>> -> memref<100000x128xf32, #tpu.memory_space<hbm>>
    tpu.wait_indirect_dma semaphore(%arg18 : memref<!tpu.dma_semaphore, #tpu.memory_space<semaphore_mem>>) src(%dma_wait3A_176 : memref<100000x128xf32, #tpu.memory_space<hbm>>) dst(%arg15 : memref<128x128xf32, #tpu.memory_space<vmem>>)
    %dma_wait3A_177 = arith.constant 3 : i32
    %dma_wait3A_178 = arith.constant 0 : i32
    %dma_wait3A_179 = tpu.memref_slice %arg11[%dma_wait3A_177, %dma_wait3A_178] : memref<4x128xi32, #tpu.memory_space<vmem>> -> memref<1x128xi32, #tpu.memory_space<vmem>>
    %dma_wait3A_180 = tpu.memref_squeeze %dma_wait3A_179 : memref<1x128xi32, #tpu.memory_space<vmem>> -> memref<128xi32, #tpu.memory_space<vmem>>
    %dma_wait3A_181 = arith.constant 0 : i32
    %dma_wait3A_182 = arith.constant 0 : i32
    %dma_wait3A_183 = tpu.memref_slice %arg6[%dma_wait3A_181, %dma_wait3A_182] : memref<100000x128xf32, #tpu.memory_space<hbm>> -> memref<100000x128xf32, #tpu.memory_space<hbm>>
    tpu.wait_indirect_dma semaphore(%arg18 : memref<!tpu.dma_semaphore, #tpu.memory_space<semaphore_mem>>) src(%dma_wait3A_183 : memref<100000x128xf32, #tpu.memory_space<hbm>>) dst(%arg16 : memref<128x128xf32, #tpu.memory_space<vmem>>)
    %add3A_184 = arith.constant 256 : i32
    %add3A_185 = arith.addi %mul3A_110, %add3A_184 : i32
    %dma_start3A_186 = arith.constant 0 : i32
    %dma_start3A_187 = tpu.memref_slice %arg8[%add3A_185, %dma_start3A_186] : memref<16384x128xf32, #tpu.memory_space<hbm>> -> memref<128x128xf32, #tpu.memory_space<hbm>>
    %dma_start3A_188 = arith.constant 0 : i32
    %dma_start3A_189 = tpu.memref_slice %arg8[%add3A_185, %dma_start3A_188] : memref<16384x128xf32, #tpu.memory_space<hbm>> -> memref<128x128xf32, #tpu.memory_space<hbm>>
    tpu.enqueue_dma source(%arg15 : memref<128x128xf32, #tpu.memory_space<vmem>>) target(%dma_start3A_189 : memref<128x128xf32, #tpu.memory_space<hbm>>) target_semaphore(%arg20 : memref<!tpu.dma_semaphore, #tpu.memory_space<semaphore_mem>>)
    %add3A_190 = arith.constant 384 : i32
    %add3A_191 = arith.addi %mul3A_110, %add3A_190 : i32
    %dma_start3A_192 = arith.constant 0 : i32
    %dma_start3A_193 = tpu.memref_slice %arg8[%add3A_191, %dma_start3A_192] : memref<16384x128xf32, #tpu.memory_space<hbm>> -> memref<128x128xf32, #tpu.memory_space<hbm>>
    %dma_start3A_194 = arith.constant 0 : i32
    %dma_start3A_195 = tpu.memref_slice %arg8[%add3A_191, %dma_start3A_194] : memref<16384x128xf32, #tpu.memory_space<hbm>> -> memref<128x128xf32, #tpu.memory_space<hbm>>
    tpu.enqueue_dma source(%arg16 : memref<128x128xf32, #tpu.memory_space<vmem>>) target(%dma_start3A_195 : memref<128x128xf32, #tpu.memory_space<hbm>>) target_semaphore(%arg20 : memref<!tpu.dma_semaphore, #tpu.memory_space<semaphore_mem>>)
    %add3A_196 = arith.constant 0 : i32
    %add3A_197 = arith.addi %mul3A_110, %add3A_196 : i32
    %dma_wait3A_198 = arith.constant 0 : i32
    %dma_wait3A_199 = tpu.memref_slice %arg8[%add3A_197, %dma_wait3A_198] : memref<16384x128xf32, #tpu.memory_space<hbm>> -> memref<128x128xf32, #tpu.memory_space<hbm>>
    %dma_wait3A_200 = arith.constant 0 : i32
    %dma_wait3A_201 = tpu.memref_slice %arg8[%add3A_197, %dma_wait3A_200] : memref<16384x128xf32, #tpu.memory_space<hbm>> -> memref<128x128xf32, #tpu.memory_space<hbm>>
    tpu.wait_dma2 semaphore(%arg19 : memref<!tpu.dma_semaphore, #tpu.memory_space<semaphore_mem>>) src(%arg13 : memref<128x128xf32, #tpu.memory_space<vmem>>) dst(%dma_wait3A_201 : memref<128x128xf32, #tpu.memory_space<hbm>>)
    %add3A_202 = arith.constant 128 : i32
    %add3A_203 = arith.addi %mul3A_110, %add3A_202 : i32
    %dma_wait3A_204 = arith.constant 0 : i32
    %dma_wait3A_205 = tpu.memref_slice %arg8[%add3A_203, %dma_wait3A_204] : memref<16384x128xf32, #tpu.memory_space<hbm>> -> memref<128x128xf32, #tpu.memory_space<hbm>>
    %dma_wait3A_206 = arith.constant 0 : i32
    %dma_wait3A_207 = tpu.memref_slice %arg8[%add3A_203, %dma_wait3A_206] : memref<16384x128xf32, #tpu.memory_space<hbm>> -> memref<128x128xf32, #tpu.memory_space<hbm>>
    tpu.wait_dma2 semaphore(%arg19 : memref<!tpu.dma_semaphore, #tpu.memory_space<semaphore_mem>>) src(%arg14 : memref<128x128xf32, #tpu.memory_space<vmem>>) dst(%dma_wait3A_207 : memref<128x128xf32, #tpu.memory_space<hbm>>)
    %add3A_208 = arith.constant 256 : i32
    %add3A_209 = arith.addi %mul3A_110, %add3A_208 : i32
    %dma_wait3A_210 = arith.constant 0 : i32
    %dma_wait3A_211 = tpu.memref_slice %arg8[%add3A_209, %dma_wait3A_210] : memref<16384x128xf32, #tpu.memory_space<hbm>> -> memref<128x128xf32, #tpu.memory_space<hbm>>
    %dma_wait3A_212 = arith.constant 0 : i32
    %dma_wait3A_213 = tpu.memref_slice %arg8[%add3A_209, %dma_wait3A_212] : memref<16384x128xf32, #tpu.memory_space<hbm>> -> memref<128x128xf32, #tpu.memory_space<hbm>>
    tpu.wait_dma2 semaphore(%arg20 : memref<!tpu.dma_semaphore, #tpu.memory_space<semaphore_mem>>) src(%arg15 : memref<128x128xf32, #tpu.memory_space<vmem>>) dst(%dma_wait3A_213 : memref<128x128xf32, #tpu.memory_space<hbm>>)
    %add3A_214 = arith.constant 384 : i32
    %add3A_215 = arith.addi %mul3A_110, %add3A_214 : i32
    %dma_wait3A_216 = arith.constant 0 : i32
    %dma_wait3A_217 = tpu.memref_slice %arg8[%add3A_215, %dma_wait3A_216] : memref<16384x128xf32, #tpu.memory_space<hbm>> -> memref<128x128xf32, #tpu.memory_space<hbm>>
    %dma_wait3A_218 = arith.constant 0 : i32
    %dma_wait3A_219 = tpu.memref_slice %arg8[%add3A_215, %dma_wait3A_218] : memref<16384x128xf32, #tpu.memory_space<hbm>> -> memref<128x128xf32, #tpu.memory_space<hbm>>
    tpu.wait_dma2 semaphore(%arg20 : memref<!tpu.dma_semaphore, #tpu.memory_space<semaphore_mem>>) src(%arg16 : memref<128x128xf32, #tpu.memory_space<vmem>>) dst(%dma_wait3A_219 : memref<128x128xf32, #tpu.memory_space<hbm>>)
    %mul3A_220 = arith.constant 10240 : i32
    %mul3A_221 = arith.muli %add3A, %mul3A_220 : i32
    %dma_start3A_222 = arith.constant 0 : i32
    %dma_start3A_223 = arith.constant 0 : i32
    %dma_start3A_224 = tpu.memref_slice %arg12[%dma_start3A_222, %dma_start3A_223] : memref<80x128xi32, #tpu.memory_space<vmem>> -> memref<1x128xi32, #tpu.memory_space<vmem>>
    %dma_start3A_225 = tpu.memref_squeeze %dma_start3A_224 : memref<1x128xi32, #tpu.memory_space<vmem>> -> memref<128xi32, #tpu.memory_space<vmem>>
    %dma_start3A_226 = arith.constant 0 : i32
    %dma_start3A_227 = arith.constant 0 : i32
    %dma_start3A_228 = tpu.memref_slice %arg6[%dma_start3A_226, %dma_start3A_227] : memref<100000x128xf32, #tpu.memory_space<hbm>> -> memref<100000x128xf32, #tpu.memory_space<hbm>>
    tpu.enqueue_indirect_dma source(%dma_start3A_228 : memref<100000x128xf32, #tpu.memory_space<hbm>>) target(%arg13 : memref<128x128xf32, #tpu.memory_space<vmem>>) offsets(%dma_start3A_225 : memref<128xi32, #tpu.memory_space<vmem>>) semaphore(%arg17 : memref<!tpu.dma_semaphore, #tpu.memory_space<semaphore_mem>>)
    %dma_start3A_229 = arith.constant 1 : i32
    %dma_start3A_230 = arith.constant 0 : i32
    %dma_start3A_231 = tpu.memref_slice %arg12[%dma_start3A_229, %dma_start3A_230] : memref<80x128xi32, #tpu.memory_space<vmem>> -> memref<1x128xi32, #tpu.memory_space<vmem>>
    %dma_start3A_232 = tpu.memref_squeeze %dma_start3A_231 : memref<1x128xi32, #tpu.memory_space<vmem>> -> memref<128xi32, #tpu.memory_space<vmem>>
    %dma_start3A_233 = arith.constant 0 : i32
    %dma_start3A_234 = arith.constant 0 : i32
    %dma_start3A_235 = tpu.memref_slice %arg6[%dma_start3A_233, %dma_start3A_234] : memref<100000x128xf32, #tpu.memory_space<hbm>> -> memref<100000x128xf32, #tpu.memory_space<hbm>>
    tpu.enqueue_indirect_dma source(%dma_start3A_235 : memref<100000x128xf32, #tpu.memory_space<hbm>>) target(%arg14 : memref<128x128xf32, #tpu.memory_space<vmem>>) offsets(%dma_start3A_232 : memref<128xi32, #tpu.memory_space<vmem>>) semaphore(%arg17 : memref<!tpu.dma_semaphore, #tpu.memory_space<semaphore_mem>>)
    %dma_start3A_236 = arith.constant 2 : i32
    %dma_start3A_237 = arith.constant 0 : i32
    %dma_start3A_238 = tpu.memref_slice %arg12[%dma_start3A_236, %dma_start3A_237] : memref<80x128xi32, #tpu.memory_space<vmem>> -> memref<1x128xi32, #tpu.memory_space<vmem>>
    %dma_start3A_239 = tpu.memref_squeeze %dma_start3A_238 : memref<1x128xi32, #tpu.memory_space<vmem>> -> memref<128xi32, #tpu.memory_space<vmem>>
    %dma_start3A_240 = arith.constant 0 : i32
    %dma_start3A_241 = arith.constant 0 : i32
    %dma_start3A_242 = tpu.memref_slice %arg6[%dma_start3A_240, %dma_start3A_241] : memref<100000x128xf32, #tpu.memory_space<hbm>> -> memref<100000x128xf32, #tpu.memory_space<hbm>>
    tpu.enqueue_indirect_dma source(%dma_start3A_242 : memref<100000x128xf32, #tpu.memory_space<hbm>>) target(%arg15 : memref<128x128xf32, #tpu.memory_space<vmem>>) offsets(%dma_start3A_239 : memref<128xi32, #tpu.memory_space<vmem>>) semaphore(%arg18 : memref<!tpu.dma_semaphore, #tpu.memory_space<semaphore_mem>>)
    %dma_start3A_243 = arith.constant 3 : i32
    %dma_start3A_244 = arith.constant 0 : i32
    %dma_start3A_245 = tpu.memref_slice %arg12[%dma_start3A_243, %dma_start3A_244] : memref<80x128xi32, #tpu.memory_space<vmem>> -> memref<1x128xi32, #tpu.memory_space<vmem>>
    %dma_start3A_246 = tpu.memref_squeeze %dma_start3A_245 : memref<1x128xi32, #tpu.memory_space<vmem>> -> memref<128xi32, #tpu.memory_space<vmem>>
    %dma_start3A_247 = arith.constant 0 : i32
    %dma_start3A_248 = arith.constant 0 : i32
    %dma_start3A_249 = tpu.memref_slice %arg6[%dma_start3A_247, %dma_start3A_248] : memref<100000x128xf32, #tpu.memory_space<hbm>> -> memref<100000x128xf32, #tpu.memory_space<hbm>>
    tpu.enqueue_indirect_dma source(%dma_start3A_249 : memref<100000x128xf32, #tpu.memory_space<hbm>>) target(%arg16 : memref<128x128xf32, #tpu.memory_space<vmem>>) offsets(%dma_start3A_246 : memref<128xi32, #tpu.memory_space<vmem>>) semaphore(%arg18 : memref<!tpu.dma_semaphore, #tpu.memory_space<semaphore_mem>>)
    %scan3A_250 = arith.constant 0 : i32
    %scan3A_251 = arith.constant 0 : i32
    %scan3A_252 = arith.constant 19 : i32
    %scan3A_253 = arith.addi %scan3A_251, %scan3A_252 : i32
    %scan3A_254 = arith.constant 1 : i32
    scf.for %scan3A_332 = %scan3A_251 to %scan3A_253 step %scan3A_254  : i32 {
      %mul3A_333 = arith.constant 4 : i32
      %mul3A_334 = arith.muli %scan3A_332, %mul3A_333 : i32
      %dma_wait3A_335 = arith.constant 0 : i32
      %dma_wait3A_336 = tpu.memref_slice %arg12[%mul3A_334, %dma_wait3A_335] : memref<80x128xi32, #tpu.memory_space<vmem>> -> memref<1x128xi32, #tpu.memory_space<vmem>>
      %dma_wait3A_337 = tpu.memref_squeeze %dma_wait3A_336 : memref<1x128xi32, #tpu.memory_space<vmem>> -> memref<128xi32, #tpu.memory_space<vmem>>
      %dma_wait3A_338 = arith.constant 0 : i32
      %dma_wait3A_339 = arith.constant 0 : i32
      %dma_wait3A_340 = tpu.memref_slice %arg6[%dma_wait3A_338, %dma_wait3A_339] : memref<100000x128xf32, #tpu.memory_space<hbm>> -> memref<100000x128xf32, #tpu.memory_space<hbm>>
      tpu.wait_indirect_dma semaphore(%arg17 : memref<!tpu.dma_semaphore, #tpu.memory_space<semaphore_mem>>) src(%dma_wait3A_340 : memref<100000x128xf32, #tpu.memory_space<hbm>>) dst(%arg13 : memref<128x128xf32, #tpu.memory_space<vmem>>)
      %add3A_341 = arith.constant 1 : i32
      %add3A_342 = arith.addi %mul3A_334, %add3A_341 : i32
      %dma_wait3A_343 = arith.constant 0 : i32
      %dma_wait3A_344 = tpu.memref_slice %arg12[%add3A_342, %dma_wait3A_343] : memref<80x128xi32, #tpu.memory_space<vmem>> -> memref<1x128xi32, #tpu.memory_space<vmem>>
      %dma_wait3A_345 = tpu.memref_squeeze %dma_wait3A_344 : memref<1x128xi32, #tpu.memory_space<vmem>> -> memref<128xi32, #tpu.memory_space<vmem>>
      %dma_wait3A_346 = arith.constant 0 : i32
      %dma_wait3A_347 = arith.constant 0 : i32
      %dma_wait3A_348 = tpu.memref_slice %arg6[%dma_wait3A_346, %dma_wait3A_347] : memref<100000x128xf32, #tpu.memory_space<hbm>> -> memref<100000x128xf32, #tpu.memory_space<hbm>>
      tpu.wait_indirect_dma semaphore(%arg17 : memref<!tpu.dma_semaphore, #tpu.memory_space<semaphore_mem>>) src(%dma_wait3A_348 : memref<100000x128xf32, #tpu.memory_space<hbm>>) dst(%arg14 : memref<128x128xf32, #tpu.memory_space<vmem>>)
      %mul3A_349 = arith.constant 128 : i32
      %mul3A_350 = arith.muli %mul3A_334, %mul3A_349 : i32
      %add3A_351 = arith.addi %mul3A_221, %mul3A_350 : i32
      %dma_start3A_352 = arith.constant 0 : i32
      %dma_start3A_353 = tpu.memref_slice %arg9[%add3A_351, %dma_start3A_352] : memref<327680x128xf32, #tpu.memory_space<hbm>> -> memref<128x128xf32, #tpu.memory_space<hbm>>
      %dma_start3A_354 = arith.constant 0 : i32
      %dma_start3A_355 = tpu.memref_slice %arg9[%add3A_351, %dma_start3A_354] : memref<327680x128xf32, #tpu.memory_space<hbm>> -> memref<128x128xf32, #tpu.memory_space<hbm>>
      tpu.enqueue_dma source(%arg13 : memref<128x128xf32, #tpu.memory_space<vmem>>) target(%dma_start3A_355 : memref<128x128xf32, #tpu.memory_space<hbm>>) target_semaphore(%arg19 : memref<!tpu.dma_semaphore, #tpu.memory_space<semaphore_mem>>)
      %add3A_356 = arith.constant 1 : i32
      %add3A_357 = arith.addi %mul3A_334, %add3A_356 : i32
      %mul3A_358 = arith.constant 128 : i32
      %mul3A_359 = arith.muli %add3A_357, %mul3A_358 : i32
      %add3A_360 = arith.addi %mul3A_221, %mul3A_359 : i32
      %dma_start3A_361 = arith.constant 0 : i32
      %dma_start3A_362 = tpu.memref_slice %arg9[%add3A_360, %dma_start3A_361] : memref<327680x128xf32, #tpu.memory_space<hbm>> -> memref<128x128xf32, #tpu.memory_space<hbm>>
      %dma_start3A_363 = arith.constant 0 : i32
      %dma_start3A_364 = tpu.memref_slice %arg9[%add3A_360, %dma_start3A_363] : memref<327680x128xf32, #tpu.memory_space<hbm>> -> memref<128x128xf32, #tpu.memory_space<hbm>>
      tpu.enqueue_dma source(%arg14 : memref<128x128xf32, #tpu.memory_space<vmem>>) target(%dma_start3A_364 : memref<128x128xf32, #tpu.memory_space<hbm>>) target_semaphore(%arg19 : memref<!tpu.dma_semaphore, #tpu.memory_space<semaphore_mem>>)
      %mul3A_365 = arith.constant 128 : i32
      %mul3A_366 = arith.muli %mul3A_334, %mul3A_365 : i32
      %add3A_367 = arith.addi %mul3A_221, %mul3A_366 : i32
      %dma_wait3A_368 = arith.constant 0 : i32
      %dma_wait3A_369 = tpu.memref_slice %arg9[%add3A_367, %dma_wait3A_368] : memref<327680x128xf32, #tpu.memory_space<hbm>> -> memref<128x128xf32, #tpu.memory_space<hbm>>
      %dma_wait3A_370 = arith.constant 0 : i32
      %dma_wait3A_371 = tpu.memref_slice %arg9[%add3A_367, %dma_wait3A_370] : memref<327680x128xf32, #tpu.memory_space<hbm>> -> memref<128x128xf32, #tpu.memory_space<hbm>>
      tpu.wait_dma2 semaphore(%arg19 : memref<!tpu.dma_semaphore, #tpu.memory_space<semaphore_mem>>) src(%arg13 : memref<128x128xf32, #tpu.memory_space<vmem>>) dst(%dma_wait3A_371 : memref<128x128xf32, #tpu.memory_space<hbm>>)
      %add3A_372 = arith.constant 1 : i32
      %add3A_373 = arith.addi %mul3A_334, %add3A_372 : i32
      %mul3A_374 = arith.constant 128 : i32
      %mul3A_375 = arith.muli %add3A_373, %mul3A_374 : i32
      %add3A_376 = arith.addi %mul3A_221, %mul3A_375 : i32
      %dma_wait3A_377 = arith.constant 0 : i32
      %dma_wait3A_378 = tpu.memref_slice %arg9[%add3A_376, %dma_wait3A_377] : memref<327680x128xf32, #tpu.memory_space<hbm>> -> memref<128x128xf32, #tpu.memory_space<hbm>>
      %dma_wait3A_379 = arith.constant 0 : i32
      %dma_wait3A_380 = tpu.memref_slice %arg9[%add3A_376, %dma_wait3A_379] : memref<327680x128xf32, #tpu.memory_space<hbm>> -> memref<128x128xf32, #tpu.memory_space<hbm>>
      tpu.wait_dma2 semaphore(%arg19 : memref<!tpu.dma_semaphore, #tpu.memory_space<semaphore_mem>>) src(%arg14 : memref<128x128xf32, #tpu.memory_space<vmem>>) dst(%dma_wait3A_380 : memref<128x128xf32, #tpu.memory_space<hbm>>)
      %add3A_381 = arith.constant 4 : i32
      %add3A_382 = arith.addi %mul3A_334, %add3A_381 : i32
      %dma_start3A_383 = arith.constant 0 : i32
      %dma_start3A_384 = tpu.memref_slice %arg12[%add3A_382, %dma_start3A_383] : memref<80x128xi32, #tpu.memory_space<vmem>> -> memref<1x128xi32, #tpu.memory_space<vmem>>
      %dma_start3A_385 = tpu.memref_squeeze %dma_start3A_384 : memref<1x128xi32, #tpu.memory_space<vmem>> -> memref<128xi32, #tpu.memory_space<vmem>>
      %dma_start3A_386 = arith.constant 0 : i32
      %dma_start3A_387 = arith.constant 0 : i32
      %dma_start3A_388 = tpu.memref_slice %arg6[%dma_start3A_386, %dma_start3A_387] : memref<100000x128xf32, #tpu.memory_space<hbm>> -> memref<100000x128xf32, #tpu.memory_space<hbm>>
      tpu.enqueue_indirect_dma source(%dma_start3A_388 : memref<100000x128xf32, #tpu.memory_space<hbm>>) target(%arg13 : memref<128x128xf32, #tpu.memory_space<vmem>>) offsets(%dma_start3A_385 : memref<128xi32, #tpu.memory_space<vmem>>) semaphore(%arg17 : memref<!tpu.dma_semaphore, #tpu.memory_space<semaphore_mem>>)
      %add3A_389 = arith.constant 5 : i32
      %add3A_390 = arith.addi %mul3A_334, %add3A_389 : i32
      %dma_start3A_391 = arith.constant 0 : i32
      %dma_start3A_392 = tpu.memref_slice %arg12[%add3A_390, %dma_start3A_391] : memref<80x128xi32, #tpu.memory_space<vmem>> -> memref<1x128xi32, #tpu.memory_space<vmem>>
      %dma_start3A_393 = tpu.memref_squeeze %dma_start3A_392 : memref<1x128xi32, #tpu.memory_space<vmem>> -> memref<128xi32, #tpu.memory_space<vmem>>
      %dma_start3A_394 = arith.constant 0 : i32
      %dma_start3A_395 = arith.constant 0 : i32
      %dma_start3A_396 = tpu.memref_slice %arg6[%dma_start3A_394, %dma_start3A_395] : memref<100000x128xf32, #tpu.memory_space<hbm>> -> memref<100000x128xf32, #tpu.memory_space<hbm>>
      tpu.enqueue_indirect_dma source(%dma_start3A_396 : memref<100000x128xf32, #tpu.memory_space<hbm>>) target(%arg14 : memref<128x128xf32, #tpu.memory_space<vmem>>) offsets(%dma_start3A_393 : memref<128xi32, #tpu.memory_space<vmem>>) semaphore(%arg17 : memref<!tpu.dma_semaphore, #tpu.memory_space<semaphore_mem>>)
      %add3A_397 = arith.constant 2 : i32
      %add3A_398 = arith.addi %mul3A_334, %add3A_397 : i32
      %dma_wait3A_399 = arith.constant 0 : i32
      %dma_wait3A_400 = tpu.memref_slice %arg12[%add3A_398, %dma_wait3A_399] : memref<80x128xi32, #tpu.memory_space<vmem>> -> memref<1x128xi32, #tpu.memory_space<vmem>>
      %dma_wait3A_401 = tpu.memref_squeeze %dma_wait3A_400 : memref<1x128xi32, #tpu.memory_space<vmem>> -> memref<128xi32, #tpu.memory_space<vmem>>
      %dma_wait3A_402 = arith.constant 0 : i32
      %dma_wait3A_403 = arith.constant 0 : i32
      %dma_wait3A_404 = tpu.memref_slice %arg6[%dma_wait3A_402, %dma_wait3A_403] : memref<100000x128xf32, #tpu.memory_space<hbm>> -> memref<100000x128xf32, #tpu.memory_space<hbm>>
      tpu.wait_indirect_dma semaphore(%arg18 : memref<!tpu.dma_semaphore, #tpu.memory_space<semaphore_mem>>) src(%dma_wait3A_404 : memref<100000x128xf32, #tpu.memory_space<hbm>>) dst(%arg15 : memref<128x128xf32, #tpu.memory_space<vmem>>)
      %add3A_405 = arith.constant 3 : i32
      %add3A_406 = arith.addi %mul3A_334, %add3A_405 : i32
      %dma_wait3A_407 = arith.constant 0 : i32
      %dma_wait3A_408 = tpu.memref_slice %arg12[%add3A_406, %dma_wait3A_407] : memref<80x128xi32, #tpu.memory_space<vmem>> -> memref<1x128xi32, #tpu.memory_space<vmem>>
      %dma_wait3A_409 = tpu.memref_squeeze %dma_wait3A_408 : memref<1x128xi32, #tpu.memory_space<vmem>> -> memref<128xi32, #tpu.memory_space<vmem>>
      %dma_wait3A_410 = arith.constant 0 : i32
      %dma_wait3A_411 = arith.constant 0 : i32
      %dma_wait3A_412 = tpu.memref_slice %arg6[%dma_wait3A_410, %dma_wait3A_411] : memref<100000x128xf32, #tpu.memory_space<hbm>> -> memref<100000x128xf32, #tpu.memory_space<hbm>>
      tpu.wait_indirect_dma semaphore(%arg18 : memref<!tpu.dma_semaphore, #tpu.memory_space<semaphore_mem>>) src(%dma_wait3A_412 : memref<100000x128xf32, #tpu.memory_space<hbm>>) dst(%arg16 : memref<128x128xf32, #tpu.memory_space<vmem>>)
      %add3A_413 = arith.constant 2 : i32
      %add3A_414 = arith.addi %mul3A_334, %add3A_413 : i32
      %mul3A_415 = arith.constant 128 : i32
      %mul3A_416 = arith.muli %add3A_414, %mul3A_415 : i32
      %add3A_417 = arith.addi %mul3A_221, %mul3A_416 : i32
      %dma_start3A_418 = arith.constant 0 : i32
      %dma_start3A_419 = tpu.memref_slice %arg9[%add3A_417, %dma_start3A_418] : memref<327680x128xf32, #tpu.memory_space<hbm>> -> memref<128x128xf32, #tpu.memory_space<hbm>>
      %dma_start3A_420 = arith.constant 0 : i32
      %dma_start3A_421 = tpu.memref_slice %arg9[%add3A_417, %dma_start3A_420] : memref<327680x128xf32, #tpu.memory_space<hbm>> -> memref<128x128xf32, #tpu.memory_space<hbm>>
      tpu.enqueue_dma source(%arg15 : memref<128x128xf32, #tpu.memory_space<vmem>>) target(%dma_start3A_421 : memref<128x128xf32, #tpu.memory_space<hbm>>) target_semaphore(%arg20 : memref<!tpu.dma_semaphore, #tpu.memory_space<semaphore_mem>>)
      %add3A_422 = arith.constant 3 : i32
      %add3A_423 = arith.addi %mul3A_334, %add3A_422 : i32
      %mul3A_424 = arith.constant 128 : i32
      %mul3A_425 = arith.muli %add3A_423, %mul3A_424 : i32
      %add3A_426 = arith.addi %mul3A_221, %mul3A_425 : i32
      %dma_start3A_427 = arith.constant 0 : i32
      %dma_start3A_428 = tpu.memref_slice %arg9[%add3A_426, %dma_start3A_427] : memref<327680x128xf32, #tpu.memory_space<hbm>> -> memref<128x128xf32, #tpu.memory_space<hbm>>
      %dma_start3A_429 = arith.constant 0 : i32
      %dma_start3A_430 = tpu.memref_slice %arg9[%add3A_426, %dma_start3A_429] : memref<327680x128xf32, #tpu.memory_space<hbm>> -> memref<128x128xf32, #tpu.memory_space<hbm>>
      tpu.enqueue_dma source(%arg16 : memref<128x128xf32, #tpu.memory_space<vmem>>) target(%dma_start3A_430 : memref<128x128xf32, #tpu.memory_space<hbm>>) target_semaphore(%arg20 : memref<!tpu.dma_semaphore, #tpu.memory_space<semaphore_mem>>)
      %add3A_431 = arith.constant 2 : i32
      %add3A_432 = arith.addi %mul3A_334, %add3A_431 : i32
      %mul3A_433 = arith.constant 128 : i32
      %mul3A_434 = arith.muli %add3A_432, %mul3A_433 : i32
      %add3A_435 = arith.addi %mul3A_221, %mul3A_434 : i32
      %dma_wait3A_436 = arith.constant 0 : i32
      %dma_wait3A_437 = tpu.memref_slice %arg9[%add3A_435, %dma_wait3A_436] : memref<327680x128xf32, #tpu.memory_space<hbm>> -> memref<128x128xf32, #tpu.memory_space<hbm>>
      %dma_wait3A_438 = arith.constant 0 : i32
      %dma_wait3A_439 = tpu.memref_slice %arg9[%add3A_435, %dma_wait3A_438] : memref<327680x128xf32, #tpu.memory_space<hbm>> -> memref<128x128xf32, #tpu.memory_space<hbm>>
      tpu.wait_dma2 semaphore(%arg20 : memref<!tpu.dma_semaphore, #tpu.memory_space<semaphore_mem>>) src(%arg15 : memref<128x128xf32, #tpu.memory_space<vmem>>) dst(%dma_wait3A_439 : memref<128x128xf32, #tpu.memory_space<hbm>>)
      %add3A_440 = arith.constant 3 : i32
      %add3A_441 = arith.addi %mul3A_334, %add3A_440 : i32
      %mul3A_442 = arith.constant 128 : i32
      %mul3A_443 = arith.muli %add3A_441, %mul3A_442 : i32
      %add3A_444 = arith.addi %mul3A_221, %mul3A_443 : i32
      %dma_wait3A_445 = arith.constant 0 : i32
      %dma_wait3A_446 = tpu.memref_slice %arg9[%add3A_444, %dma_wait3A_445] : memref<327680x128xf32, #tpu.memory_space<hbm>> -> memref<128x128xf32, #tpu.memory_space<hbm>>
      %dma_wait3A_447 = arith.constant 0 : i32
      %dma_wait3A_448 = tpu.memref_slice %arg9[%add3A_444, %dma_wait3A_447] : memref<327680x128xf32, #tpu.memory_space<hbm>> -> memref<128x128xf32, #tpu.memory_space<hbm>>
      tpu.wait_dma2 semaphore(%arg20 : memref<!tpu.dma_semaphore, #tpu.memory_space<semaphore_mem>>) src(%arg16 : memref<128x128xf32, #tpu.memory_space<vmem>>) dst(%dma_wait3A_448 : memref<128x128xf32, #tpu.memory_space<hbm>>)
      %add3A_449 = arith.constant 6 : i32
      %add3A_450 = arith.addi %mul3A_334, %add3A_449 : i32
      %dma_start3A_451 = arith.constant 0 : i32
      %dma_start3A_452 = tpu.memref_slice %arg12[%add3A_450, %dma_start3A_451] : memref<80x128xi32, #tpu.memory_space<vmem>> -> memref<1x128xi32, #tpu.memory_space<vmem>>
      %dma_start3A_453 = tpu.memref_squeeze %dma_start3A_452 : memref<1x128xi32, #tpu.memory_space<vmem>> -> memref<128xi32, #tpu.memory_space<vmem>>
      %dma_start3A_454 = arith.constant 0 : i32
      %dma_start3A_455 = arith.constant 0 : i32
      %dma_start3A_456 = tpu.memref_slice %arg6[%dma_start3A_454, %dma_start3A_455] : memref<100000x128xf32, #tpu.memory_space<hbm>> -> memref<100000x128xf32, #tpu.memory_space<hbm>>
      tpu.enqueue_indirect_dma source(%dma_start3A_456 : memref<100000x128xf32, #tpu.memory_space<hbm>>) target(%arg15 : memref<128x128xf32, #tpu.memory_space<vmem>>) offsets(%dma_start3A_453 : memref<128xi32, #tpu.memory_space<vmem>>) semaphore(%arg18 : memref<!tpu.dma_semaphore, #tpu.memory_space<semaphore_mem>>)
      %add3A_457 = arith.constant 7 : i32
      %add3A_458 = arith.addi %mul3A_334, %add3A_457 : i32
      %dma_start3A_459 = arith.constant 0 : i32
      %dma_start3A_460 = tpu.memref_slice %arg12[%add3A_458, %dma_start3A_459] : memref<80x128xi32, #tpu.memory_space<vmem>> -> memref<1x128xi32, #tpu.memory_space<vmem>>
      %dma_start3A_461 = tpu.memref_squeeze %dma_start3A_460 : memref<1x128xi32, #tpu.memory_space<vmem>> -> memref<128xi32, #tpu.memory_space<vmem>>
      %dma_start3A_462 = arith.constant 0 : i32
      %dma_start3A_463 = arith.constant 0 : i32
      %dma_start3A_464 = tpu.memref_slice %arg6[%dma_start3A_462, %dma_start3A_463] : memref<100000x128xf32, #tpu.memory_space<hbm>> -> memref<100000x128xf32, #tpu.memory_space<hbm>>
      tpu.enqueue_indirect_dma source(%dma_start3A_464 : memref<100000x128xf32, #tpu.memory_space<hbm>>) target(%arg16 : memref<128x128xf32, #tpu.memory_space<vmem>>) offsets(%dma_start3A_461 : memref<128xi32, #tpu.memory_space<vmem>>) semaphore(%arg18 : memref<!tpu.dma_semaphore, #tpu.memory_space<semaphore_mem>>)
    }
    %scan3A_255 = arith.constant 19 : i32
    %dma_wait3A_256 = arith.constant 76 : i32
    %dma_wait3A_257 = arith.constant 0 : i32
    %dma_wait3A_258 = tpu.memref_slice %arg12[%dma_wait3A_256, %dma_wait3A_257] : memref<80x128xi32, #tpu.memory_space<vmem>> -> memref<1x128xi32, #tpu.memory_space<vmem>>
    %dma_wait3A_259 = tpu.memref_squeeze %dma_wait3A_258 : memref<1x128xi32, #tpu.memory_space<vmem>> -> memref<128xi32, #tpu.memory_space<vmem>>
    %dma_wait3A_260 = arith.constant 0 : i32
    %dma_wait3A_261 = arith.constant 0 : i32
    %dma_wait3A_262 = tpu.memref_slice %arg6[%dma_wait3A_260, %dma_wait3A_261] : memref<100000x128xf32, #tpu.memory_space<hbm>> -> memref<100000x128xf32, #tpu.memory_space<hbm>>
    tpu.wait_indirect_dma semaphore(%arg17 : memref<!tpu.dma_semaphore, #tpu.memory_space<semaphore_mem>>) src(%dma_wait3A_262 : memref<100000x128xf32, #tpu.memory_space<hbm>>) dst(%arg13 : memref<128x128xf32, #tpu.memory_space<vmem>>)
    %dma_wait3A_263 = arith.constant 77 : i32
    %dma_wait3A_264 = arith.constant 0 : i32
    %dma_wait3A_265 = tpu.memref_slice %arg12[%dma_wait3A_263, %dma_wait3A_264] : memref<80x128xi32, #tpu.memory_space<vmem>> -> memref<1x128xi32, #tpu.memory_space<vmem>>
    %dma_wait3A_266 = tpu.memref_squeeze %dma_wait3A_265 : memref<1x128xi32, #tpu.memory_space<vmem>> -> memref<128xi32, #tpu.memory_space<vmem>>
    %dma_wait3A_267 = arith.constant 0 : i32
    %dma_wait3A_268 = arith.constant 0 : i32
    %dma_wait3A_269 = tpu.memref_slice %arg6[%dma_wait3A_267, %dma_wait3A_268] : memref<100000x128xf32, #tpu.memory_space<hbm>> -> memref<100000x128xf32, #tpu.memory_space<hbm>>
    tpu.wait_indirect_dma semaphore(%arg17 : memref<!tpu.dma_semaphore, #tpu.memory_space<semaphore_mem>>) src(%dma_wait3A_269 : memref<100000x128xf32, #tpu.memory_space<hbm>>) dst(%arg14 : memref<128x128xf32, #tpu.memory_space<vmem>>)
    %add3A_270 = arith.constant 9728 : i32
    %add3A_271 = arith.addi %mul3A_221, %add3A_270 : i32
    %dma_start3A_272 = arith.constant 0 : i32
    %dma_start3A_273 = tpu.memref_slice %arg9[%add3A_271, %dma_start3A_272] : memref<327680x128xf32, #tpu.memory_space<hbm>> -> memref<128x128xf32, #tpu.memory_space<hbm>>
    %dma_start3A_274 = arith.constant 0 : i32
    %dma_start3A_275 = tpu.memref_slice %arg9[%add3A_271, %dma_start3A_274] : memref<327680x128xf32, #tpu.memory_space<hbm>> -> memref<128x128xf32, #tpu.memory_space<hbm>>
    tpu.enqueue_dma source(%arg13 : memref<128x128xf32, #tpu.memory_space<vmem>>) target(%dma_start3A_275 : memref<128x128xf32, #tpu.memory_space<hbm>>) target_semaphore(%arg19 : memref<!tpu.dma_semaphore, #tpu.memory_space<semaphore_mem>>)
    %add3A_276 = arith.constant 9856 : i32
    %add3A_277 = arith.addi %mul3A_221, %add3A_276 : i32
    %dma_start3A_278 = arith.constant 0 : i32
    %dma_start3A_279 = tpu.memref_slice %arg9[%add3A_277, %dma_start3A_278] : memref<327680x128xf32, #tpu.memory_space<hbm>> -> memref<128x128xf32, #tpu.memory_space<hbm>>
    %dma_start3A_280 = arith.constant 0 : i32
    %dma_start3A_281 = tpu.memref_slice %arg9[%add3A_277, %dma_start3A_280] : memref<327680x128xf32, #tpu.memory_space<hbm>> -> memref<128x128xf32, #tpu.memory_space<hbm>>
    tpu.enqueue_dma source(%arg14 : memref<128x128xf32, #tpu.memory_space<vmem>>) target(%dma_start3A_281 : memref<128x128xf32, #tpu.memory_space<hbm>>) target_semaphore(%arg19 : memref<!tpu.dma_semaphore, #tpu.memory_space<semaphore_mem>>)
    %dma_wait3A_282 = arith.constant 78 : i32
    %dma_wait3A_283 = arith.constant 0 : i32
    %dma_wait3A_284 = tpu.memref_slice %arg12[%dma_wait3A_282, %dma_wait3A_283] : memref<80x128xi32, #tpu.memory_space<vmem>> -> memref<1x128xi32, #tpu.memory_space<vmem>>
    %dma_wait3A_285 = tpu.memref_squeeze %dma_wait3A_284 : memref<1x128xi32, #tpu.memory_space<vmem>> -> memref<128xi32, #tpu.memory_space<vmem>>
    %dma_wait3A_286 = arith.constant 0 : i32
    %dma_wait3A_287 = arith.constant 0 : i32
    %dma_wait3A_288 = tpu.memref_slice %arg6[%dma_wait3A_286, %dma_wait3A_287] : memref<100000x128xf32, #tpu.memory_space<hbm>> -> memref<100000x128xf32, #tpu.memory_space<hbm>>
    tpu.wait_indirect_dma semaphore(%arg18 : memref<!tpu.dma_semaphore, #tpu.memory_space<semaphore_mem>>) src(%dma_wait3A_288 : memref<100000x128xf32, #tpu.memory_space<hbm>>) dst(%arg15 : memref<128x128xf32, #tpu.memory_space<vmem>>)
    %dma_wait3A_289 = arith.constant 79 : i32
    %dma_wait3A_290 = arith.constant 0 : i32
    %dma_wait3A_291 = tpu.memref_slice %arg12[%dma_wait3A_289, %dma_wait3A_290] : memref<80x128xi32, #tpu.memory_space<vmem>> -> memref<1x128xi32, #tpu.memory_space<vmem>>
    %dma_wait3A_292 = tpu.memref_squeeze %dma_wait3A_291 : memref<1x128xi32, #tpu.memory_space<vmem>> -> memref<128xi32, #tpu.memory_space<vmem>>
    %dma_wait3A_293 = arith.constant 0 : i32
    %dma_wait3A_294 = arith.constant 0 : i32
    %dma_wait3A_295 = tpu.memref_slice %arg6[%dma_wait3A_293, %dma_wait3A_294] : memref<100000x128xf32, #tpu.memory_space<hbm>> -> memref<100000x128xf32, #tpu.memory_space<hbm>>
    tpu.wait_indirect_dma semaphore(%arg18 : memref<!tpu.dma_semaphore, #tpu.memory_space<semaphore_mem>>) src(%dma_wait3A_295 : memref<100000x128xf32, #tpu.memory_space<hbm>>) dst(%arg16 : memref<128x128xf32, #tpu.memory_space<vmem>>)
    %add3A_296 = arith.constant 9984 : i32
    %add3A_297 = arith.addi %mul3A_221, %add3A_296 : i32
    %dma_start3A_298 = arith.constant 0 : i32
    %dma_start3A_299 = tpu.memref_slice %arg9[%add3A_297, %dma_start3A_298] : memref<327680x128xf32, #tpu.memory_space<hbm>> -> memref<128x128xf32, #tpu.memory_space<hbm>>
    %dma_start3A_300 = arith.constant 0 : i32
    %dma_start3A_301 = tpu.memref_slice %arg9[%add3A_297, %dma_start3A_300] : memref<327680x128xf32, #tpu.memory_space<hbm>> -> memref<128x128xf32, #tpu.memory_space<hbm>>
    tpu.enqueue_dma source(%arg15 : memref<128x128xf32, #tpu.memory_space<vmem>>) target(%dma_start3A_301 : memref<128x128xf32, #tpu.memory_space<hbm>>) target_semaphore(%arg20 : memref<!tpu.dma_semaphore, #tpu.memory_space<semaphore_mem>>)
    %add3A_302 = arith.constant 10112 : i32
    %add3A_303 = arith.addi %mul3A_221, %add3A_302 : i32
    %dma_start3A_304 = arith.constant 0 : i32
    %dma_start3A_305 = tpu.memref_slice %arg9[%add3A_303, %dma_start3A_304] : memref<327680x128xf32, #tpu.memory_space<hbm>> -> memref<128x128xf32, #tpu.memory_space<hbm>>
    %dma_start3A_306 = arith.constant 0 : i32
    %dma_start3A_307 = tpu.memref_slice %arg9[%add3A_303, %dma_start3A_306] : memref<327680x128xf32, #tpu.memory_space<hbm>> -> memref<128x128xf32, #tpu.memory_space<hbm>>
    tpu.enqueue_dma source(%arg16 : memref<128x128xf32, #tpu.memory_space<vmem>>) target(%dma_start3A_307 : memref<128x128xf32, #tpu.memory_space<hbm>>) target_semaphore(%arg20 : memref<!tpu.dma_semaphore, #tpu.memory_space<semaphore_mem>>)
    %add3A_308 = arith.constant 9728 : i32
    %add3A_309 = arith.addi %mul3A_221, %add3A_308 : i32
    %dma_wait3A_310 = arith.constant 0 : i32
    %dma_wait3A_311 = tpu.memref_slice %arg9[%add3A_309, %dma_wait3A_310] : memref<327680x128xf32, #tpu.memory_space<hbm>> -> memref<128x128xf32, #tpu.memory_space<hbm>>
    %dma_wait3A_312 = arith.constant 0 : i32
    %dma_wait3A_313 = tpu.memref_slice %arg9[%add3A_309, %dma_wait3A_312] : memref<327680x128xf32, #tpu.memory_space<hbm>> -> memref<128x128xf32, #tpu.memory_space<hbm>>
    tpu.wait_dma2 semaphore(%arg19 : memref<!tpu.dma_semaphore, #tpu.memory_space<semaphore_mem>>) src(%arg13 : memref<128x128xf32, #tpu.memory_space<vmem>>) dst(%dma_wait3A_313 : memref<128x128xf32, #tpu.memory_space<hbm>>)
    %add3A_314 = arith.constant 9856 : i32
    %add3A_315 = arith.addi %mul3A_221, %add3A_314 : i32
    %dma_wait3A_316 = arith.constant 0 : i32
    %dma_wait3A_317 = tpu.memref_slice %arg9[%add3A_315, %dma_wait3A_316] : memref<327680x128xf32, #tpu.memory_space<hbm>> -> memref<128x128xf32, #tpu.memory_space<hbm>>
    %dma_wait3A_318 = arith.constant 0 : i32
    %dma_wait3A_319 = tpu.memref_slice %arg9[%add3A_315, %dma_wait3A_318] : memref<327680x128xf32, #tpu.memory_space<hbm>> -> memref<128x128xf32, #tpu.memory_space<hbm>>
    tpu.wait_dma2 semaphore(%arg19 : memref<!tpu.dma_semaphore, #tpu.memory_space<semaphore_mem>>) src(%arg14 : memref<128x128xf32, #tpu.memory_space<vmem>>) dst(%dma_wait3A_319 : memref<128x128xf32, #tpu.memory_space<hbm>>)
    %add3A_320 = arith.constant 9984 : i32
    %add3A_321 = arith.addi %mul3A_221, %add3A_320 : i32
    %dma_wait3A_322 = arith.constant 0 : i32
    %dma_wait3A_323 = tpu.memref_slice %arg9[%add3A_321, %dma_wait3A_322] : memref<327680x128xf32, #tpu.memory_space<hbm>> -> memref<128x128xf32, #tpu.memory_space<hbm>>
    %dma_wait3A_324 = arith.constant 0 : i32
    %dma_wait3A_325 = tpu.memref_slice %arg9[%add3A_321, %dma_wait3A_324] : memref<327680x128xf32, #tpu.memory_space<hbm>> -> memref<128x128xf32, #tpu.memory_space<hbm>>
    tpu.wait_dma2 semaphore(%arg20 : memref<!tpu.dma_semaphore, #tpu.memory_space<semaphore_mem>>) src(%arg15 : memref<128x128xf32, #tpu.memory_space<vmem>>) dst(%dma_wait3A_325 : memref<128x128xf32, #tpu.memory_space<hbm>>)
    %add3A_326 = arith.constant 10112 : i32
    %add3A_327 = arith.addi %mul3A_221, %add3A_326 : i32
    %dma_wait3A_328 = arith.constant 0 : i32
    %dma_wait3A_329 = tpu.memref_slice %arg9[%add3A_327, %dma_wait3A_328] : memref<327680x128xf32, #tpu.memory_space<hbm>> -> memref<128x128xf32, #tpu.memory_space<hbm>>
    %dma_wait3A_330 = arith.constant 0 : i32
    %dma_wait3A_331 = tpu.memref_slice %arg9[%add3A_327, %dma_wait3A_330] : memref<327680x128xf32, #tpu.memory_space<hbm>> -> memref<128x128xf32, #tpu.memory_space<hbm>>
    tpu.wait_dma2 semaphore(%arg20 : memref<!tpu.dma_semaphore, #tpu.memory_space<semaphore_mem>>) src(%arg16 : memref<128x128xf32, #tpu.memory_space<vmem>>) dst(%dma_wait3A_331 : memref<128x128xf32, #tpu.memory_space<hbm>>)
    return
  }
}

</mosaic_0001>

<sc_bundles>
// kernel: kernel.3.cloned.1.call-start
scs
__scs_entry_jumppad:
0x0: {  	(pc) =	sbr.rel $0x88, $3  }
0x1: {  	(tag) =	ssettag $0x0;
	lr =	simm.s32 $0x1  }
0x2: {  	[smem:$0x3F9C] =	sst lr;
	_ =	strace $0xD0000000  }
0x3: {  	_ = 	snop  }
0x4: {  	_ = 	snop  }
0x5: {  	_ = 	snop  }
0x6: {  	_ = 	snop  }
0x7: {  	_ = 	snop  }
__scs_overlays_trampoline_lowered:
0x8: {  	[smem:$0x3FAB] =	sst s0  }
0x9: {  	[smem:$0x3FAC] =	sst s1  }
0xa: {  	[smem:$0x3FAD] =	sst s2  }
0xb: {  	[smem:$0x3FAE] =	sst s3  }
0xc: {  	[smem:$0x3FAF] =	sst s4  }
0xd: {  	[smem:$0x3FB0] =	sst s5  }
0xe: {  	[smem:$0x3FB1] =	sst s6  }
0xf: {  	[smem:$0x3FB2] =	sst s7  }
0x10: {  	[smem:$0x3FB3] =	sst s8  }
0x11: {  	[smem:$0x3FB4] =	sst s9;
	s0 =	simm.s32 @!p0 $0x0  }
0x12: {  	s1 =	sld [smem:$0x3F9A];
	s0 =	simm.s32 @p0 $0x1  }
0x13: {  	[smem:$0x3FB5] =	sst s0;
	s0 =	simm.s32 @!p1 $0x0  }
0x14: {  	s2 =	sld [smem:$0x3F99];
	s0 =	simm.s32 @p1 $0x1  }
0x15: {  	[smem:$0x3FB6] =	sst s0;
	s0 =	simm.s32 @!p2 $0x0  }
0x16: {  	s3 =	sld [smem:$0x3FDB];
	s0 =	simm.s32 @p2 $0x1  }
0x17: {  	s4 =	simm.s32 $0x1BF5;
	[smem:$0x3FB8] =	sst s0  }
0x18: {  	s0 =	sld [smem:$0x3F9B];
	_ =	swait.ge [sflag:s4], $0x0  }
0x19: {  	s7 =	sld [smem:$0x3F9C]  }
0x1a: {  	s8 =	sadd.s32 $0xFFFFE003, lr  }
0x1b: {  	s9 =	sadd.s32 $0xFFFFFEF7, lr;
	s5 =	simm.s32 $0xFFFFFFFF;
	p2 =	slt.u32 s8, $0xFFFFF086  }
0x1c: {  	p1 =	slt.u32 s9, $0xF7A;
	s5 =	simm.s32 @!p2 $0x0  }
0x1d: {  	s5 =	simm.s32 @p1 $0x1;
	p0 =	seq.s32 s7, s2  }
0x1e: {  	s7 =	smul.u32 @!p0 $0xF7A, s2;
	p2 =	seq.s32 @!p0 s5, $0x0  }
0x1f: {  	s9 =	smul.u32 $0xF7A, s1;
	s8 =	simm.s32 @!p0 $0x1BF5;
	p2 =	por !p2, p0  }
0x20: {  	[sflag:s8] =	ssyncset.s32 @!p0 $0xFFFFF086;
	s6 =	sadd.s32 @!p0 s3, s7;
	s7 =	simm.s32 @!p0 $0x108  }
0x21: {  	s3 =	sadd.s32 s3, s9;
	s6 =	sadd.s32 @!p0 $0x88, s6;
	s7 =	simm.s32 @p2 $0x1082  }
0x22: {  	[simem:s7], [sflag:s8] =	dma.local @!p0 [hbm:s6], $0xF7A  }
0x23: {  	s9 =	sor.u32 $0xD0000000, s2;
	s6 =	simm.s32 $0x108;
	_ =	swait.ge @!p0 [sflag:s8], $0x0  }
0x24: {  	s3 =	sadd.s32 $0x88, s3;
	s6 =	simm.s32 @!p1 $0x1082;
	[sflag:s4] =	ssyncset.s32 $0xFFFFF086  }
0x25: {  	[simem:s6], [sflag:s4] =	dma.local [hbm:s3], $0xF7A  }
0x26: {  	[smem:$0x3F9C] =	sst s1;
	(tag) =	ssettag s2;
	_ =	strace s9  }
0x27: {  	s1 =	sld [smem:$0x3FAC]  }
0x28: {  	s2 =	sld [smem:$0x3FAD]  }
0x29: {  	s4 =	sld [smem:$0x3FAF]  }
0x2a: {  	p0 =	seq.s32 s5, $0x0;
	s5 =	sld [smem:$0x3FB0]  }
0x2b: {  	s6 =	sld [smem:$0x3FB1]  }
0x2c: {  	s7 =	sld [smem:$0x3FB2]  }
0x2d: {  	s3 =	simm.s32 $0x108;
	s8 =	sld [smem:$0x3FB3]  }
0x2e: {  	s3 =	simm.s32 @!p0 $0x1082;
	s9 =	sld [smem:$0x3FB4]  }
0x2f: {  	lr =	sadd.s32 s0, s3;
	s0 =	sld [smem:$0x3FAB]  }
0x30: {  	s3 =	sld [smem:$0x3FAE]  }
0x31: {  	[smem:$0x3FB7] =	sst s10  }
0x32: {  	s10 =	sld [smem:$0x3FB5];
	_ =	sdelay $0x3  }
0x33: {  	p0 =	seq.s32 s10, $0x1;
	s10 =	sld [smem:$0x3FB7];
	_ =	sdelay $0x3  }
0x34: {  	[smem:$0x3FB7] =	sst s10  }
0x35: {  	s10 =	sld [smem:$0x3FB6];
	_ =	sdelay $0x3  }
0x36: {  	p1 =	seq.s32 s10, $0x1;
	s10 =	sld [smem:$0x3FB7];
	_ =	sdelay $0x3  }
0x37: {  	[smem:$0x3FB7] =	sst s10  }
0x38: {  	s10 =	sld [smem:$0x3FB8]  }
0x39: {  	_ = 	snop;
	(pc) =	sbr.ind lr, $3  }
0x3a: {  	_ = 	snop  }
0x3b: {  	_ = 	snop  }
0x3c: {  	p2 =	seq.s32 s10, $0x1;
	s10 =	sld [smem:$0x3FB7]  }
0x3d: {  	_ =	shalt  }
0x3e: {  	_ =	shalt  }
0x3f: {  	_ =	shalt  }
0x40: {  	_ =	shalt  }
0x41: {  	_ =	shalt  }
0x42: {  	_ =	shalt  }
0x43: {  	_ =	shalt  }
0x44: {  	_ =	shalt  }
0x45: {  	_ =	shalt  }
0x46: {  	_ =	shalt  }
0x47: {  	_ =	shalt  }
0x48: {  	_ =	shalt  }
0x49: {  	_ =	shalt  }
0x4a: {  	_ =	shalt  }
0x4b: {  	_ =	shalt  }
0x4c: {  	_ =	shalt  }
0x4d: {  	_ =	shalt  }
0x4e: {  	_ =	shalt  }
0x4f: {  	_ =	shalt  }
0x50: {  	_ =	shalt  }
0x51: {  	_ =	shalt  }
0x52: {  	_ =	shalt  }
0x53: {  	_ =	shalt  }
0x54: {  	_ =	shalt  }
0x55: {  	_ =	shalt  }
0x56: {  	_ =	shalt  }
0x57: {  	_ =	shalt  }
0x58: {  	_ =	shalt  }
0x59: {  	_ =	shalt  }
0x5a: {  	_ =	shalt  }
0x5b: {  	_ =	shalt  }
0x5c: {  	_ =	shalt  }
0x5d: {  	_ =	shalt  }
0x5e: {  	_ =	shalt  }
0x5f: {  	_ =	shalt  }
0x60: {  	_ =	shalt  }
0x61: {  	_ =	shalt  }
0x62: {  	_ =	shalt  }
0x63: {  	_ =	shalt  }
0x64: {  	_ =	shalt  }
0x65: {  	_ =	shalt  }
0x66: {  	_ =	shalt  }
0x67: {  	_ =	shalt  }
0x68: {  	_ =	shalt  }
0x69: {  	_ =	shalt  }
0x6a: {  	_ =	shalt  }
0x6b: {  	_ =	shalt  }
0x6c: {  	_ =	shalt  }
0x6d: {  	_ =	shalt  }
0x6e: {  	_ =	shalt  }
0x6f: {  	_ =	shalt  }
0x70: {  	_ =	shalt  }
0x71: {  	_ =	shalt  }
0x72: {  	_ =	shalt  }
0x73: {  	_ =	shalt  }
0x74: {  	_ =	shalt  }
0x75: {  	_ =	shalt  }
0x76: {  	_ =	shalt  }
0x77: {  	_ =	shalt  }
0x78: {  	_ =	shalt  }
0x79: {  	_ =	shalt  }
0x7a: {  	_ =	shalt  }
0x7b: {  	_ =	shalt  }
0x7c: {  	_ =	shalt  }
0x7d: {  	_ =	shalt  }
0x7e: {  	_ =	shalt  }
0x7f: {  	_ =	shalt  }
0x80: {  	_ =	shalt  }
0x81: {  	_ =	shalt  }
0x82: {  	_ =	shalt  }
0x83: {  	_ =	shalt  }
0x84: {  	_ =	shalt  }
0x85: {  	_ =	shalt  }
0x86: {  	_ =	shalt  }
0x87: {  	_ =	shalt  }
.Lfunc_end0:
.L_simem_size_0:
called_computation_lowered:
.L_overlay_start_0:
0x88: {  	s2 =	sld [smem:$0x3FD9]  }
0x89: {  	s3 =	sld [smem:$0x3FFE];
	_ =	sdelay $0x1  }
0x8a: {  	s1 =	srdreg.scid  }
0x8b: {  	s0 =	sand.u32 $0x1, s1  }
0x8c: {  	s14 =	sshll.u32 s0, $0xA;
	s2 =	sadd.s32 s3, s2  }
0x8d: {  	s2 =	sadd.s32 s2, s14  }
0x8e: {  	[smem:$0x3FC3] =	sst s2  }
0x8f: {  	_ = 	snop  }
0x90: {  	s2 =	sld [smem:$0x3FC9]  }
0x91: {  	s15 =	sld [smem:$0x3FD0]  }
0x92: {  	s4 =	sld [smem:$0x3FC8]  }
0x93: {  	s5 =	sld [smem:$0x3FC6]  }
0x94: {  	s7 =	simm.s32 $0xA;
	s8 =	simm.s32 $0x10;
	s6 =	sld [smem:$0x3FC5]  }
0x95: {  	[smem:s8], [sflag:s7] =	dma.local [hbm:s15], $0x1  }
0x96: {  	_ =	swait.eq [sflag:s7], $0x1  }
0x97: {  	s16 =	sld [smem:$0x10];
	[sflag:s7] =	ssyncset.done $0x0  }
0x98: {  	s17 =	sld [smem:$0x11];
	[sflag:s7] =	ssyncadd.s32 $0xFFFFFFFF  }
0x99: {  	s18 =	sld [smem:$0x12];
	(tm) =	ssettm $0x1  }
0x9a: {  	s9 =	sld [smem:$0x3FFB];
	_ =	sdelay $0x3  }
0x9b: {  	_ =	strace s9  }
0x9c: {  	s9 =	sld [smem:$0x3FFC];
	_ =	sdelay $0x3  }
0x9d: {  	_ =	strace s9  }
0x9e: {  	s9 =	sld [smem:$0x3FFD];
	_ =	sdelay $0x3  }
0x9f: {  	_ =	strace s9  }
0xa0: {  	_ =	strace $0x8FFFFFFF  }
0xa1: {  	s19 =	sld [smem:$0x3FDB];
	_ =	sdelay $0x1  }
0xa2: {  	s10 =	simm.s32 $_scs_section_size  }
0xa3: {  	s11 =	simm.s32 $_size__tile_overlayer_lowered;
	s12 =	simm.s32 $_tile_overlayer_lowered  }
0xa4: {  	s22 =	simm.s32 $0x1BFF;
	s21 =	sshll.u32 s12, $0x1;
	s9 =	sadd.s32 s10, s19  }
0xa5: {  	s13 =	simm.s32 $0x0;
	s20 =	sshll.u32 s11, $0x1;
	s11 =	sadd.s32 s21, s9  }
0xa6: {  	[timem:s13], [sflag:s22] =	dma.local [hbm:s11], s20  }
0xa7: {  	_ =	swait.ge [sflag:s22], s20  }
0xa8: {  	s10 =	ssub.s32 $0x0, s20;
	[sflag:s22] =	ssyncset.done $0x0  }
0xa9: {  	[sflag:s22] =	ssyncadd.s32 s10;
	_ =	sdelay $0x1  }
0xaa: {  	s23 =	simm.s32 $0x1B8B  }
0xab: {  	_ =	swait.ge [sflag:s23], $0x1  }
0xac: {  	[sflag:s23] =	ssyncset.done $0x0  }
0xad: {  	s25 =	simm.s32 $0x1B8E;
	s24 =	sld [smem:$0x3FFE];
	[sflag:s23] =	ssyncadd.s32 $0xFFFFFFFF  }
0xae: {  	s26 =	simm.s32 $execute0_lowered;
	[smem:$0x3FD2] =	sst s25  }
0xaf: {  	s11 =	sshll.u32 s26, $0x1;
	_ =	strace $0x80000046;
	[dreg:$0x1] =	wrdreg $0xFFFFFFFF  }
0xb0: {  	s28 =	simm.s32 $_size_execute0_lowered;
	s9 =	sadd.s32 s9, s11;
	[dreg:$0x0] =	wrdreg $0x0  }
0xb1: {  	s11 =	sshll.u32 s28, $0x1;
	[dreg:$0x2] =	wrdreg s9  }
0xb2: {  	[dreg:$0x3] =	wrdreg s11  }
0xb3: {  	[dreg:$0x4] =	wrdreg $0xC0  }
0xb4: {  	_ =	task [dreg:s13], $0x5FFFF  }
0xb5: {  	[dreg:$0x1] =	wrdreg $0xFFFFFFFF  }
0xb6: {  	[dreg:$0x0] =	wrdreg $0x60  }
0xb7: {  	[dreg:$0x2] =	wrdreg s2  }
0xb8: {  	[dreg:$0x3] =	wrdreg s4  }
0xb9: {  	[dreg:$0x4] =	wrdreg s24  }
0xba: {  	[dreg:$0x5] =	wrdreg s5  }
0xbb: {  	[dreg:$0x6] =	wrdreg s6  }
0xbc: {  	[dreg:$0x7] =	wrdreg s16  }
0xbd: {  	[dreg:$0x8] =	wrdreg s17  }
0xbe: {  	[dreg:$0x9] =	wrdreg s18  }
0xbf: {  	[dreg:$0xa] =	wrdreg $0x9  }
0xc0: {  	_ =	task.clear_ibuf [dreg:s13], $0xBFFFF;
	_ =	strace $0x90000046  }
0xc1: {  	s29 =	simm.s32 $0x9;
	_ =	strace $0x80000048  }
0xc2: {  	_ =	swait.ge [sflag:s29], $0x1  }
0xc3: {  	[sflag:s29] =	ssyncadd.s32 $0xFFFFFFFF  }
0xc4: {  	_ =	strace $0x90000048  }
0xc5: {  	_ =	sfence  }
0xc6: {  	s30 =	sld [smem:$0x0];
	_ =	sdelay $0x2  }
0xc7: {  	s31 =	sshll.u32 s1, $0xD;
	s1 =	sshrl.u32 s1, $0x2  }
0xc8: {  	s3 =	sand.u32 $0x4000, s31;
	s1 =	sadd.s32 s1, s30  }
0xc9: {  	s0 =	sor.u32 s3, s0;
	s1 =	sshll.u32 s1, $0x11  }
0xca: {  	s0 =	sor.u32 s1, s0  }
0xcb: {  	s0 =	sadd.s32 $0x8F2B, s0  }
0xcc: {  	[sflag:s0] =	ssyncadd.remote.s32 $0x1  }
0xcd: {  	_ =	sfence.sel $0xFFFF  }
0xce: {  	[dreg:$0x0] =	wrdreg $0xFFFFFFFF;
	(pc) =	sbr.abs _section_cstart, $3  }
0xcf: {  	[dreg:$0x1] =	wrdreg $0xFFFFFFFF  }
0xd0: {  	_ =	task.clear_ibuf [dreg:s13], $0x2FFFF;
	_ =	strace $0x9FFFFFFF  }
0xd1: {  	(tm) =	ssettm $0x7FFFFFFF  }
tec
execute0_lowered:
.L_overlay_start_1:
0x0: {  	(tag) =	ssettag $0x1  }
0x1: {  	s0 =	rddreg [dreg:$0x0]  }
0x2: {  	s3 =	rddreg [dreg:$0x1]  }
0x3: {  	s5 =	rddreg [dreg:$0x2]  }
0x4: {  	s1 =	rddreg [dreg:$0x3]  }
0x5: {  	s2 =	rddreg [dreg:$0x4]  }
0x6: {  	s6 =	rddreg [dreg:$0x5]  }
0x7: {  	s4 =	srdreg.scid;
	s7 =	rddreg [dreg:$0x6]  }
0x8: {  	s18 =	stileid.u32;
	s9 =	rddreg [dreg:$0x7]  }
0x9: {  	s28 =	simm.s32 $0x2C00;
	s29 =	simm.s32 $0x6C00;
	s21 =	smul.u32 $0x280000, s18  }
0xa: {  	s31 =	simm.s32 $0xAC00;
	s8 =	sand.u32 $0x1, s4;
	s23 =	smul.u32 $0x50000, s18  }
0xb: {  	s30 =	simm.s32 $0x1;
	s24 =	sshll.u32 s18, $0x1;
	s22 =	smul.u32 $0x140000, s8  }
0xc: {  	s4 =	simm.s32 $0x0;
	s10 =	sor.u32 s8, s24;
	s24 =	smul.u32 $0x28000, s8  }
0xd: {  	[smem:$0x7FF] =	sst s4;
	s12 =	ssub.s32 $0x2, s8;
	s11 =	smul.u32 $0x2800, s10  }
0xe: {  	_ =	strace $0x80000047;
	s25 =	sshrl.u32 s12, $0x1;
	s13 =	sshll.u32 s10, $0x6  }
0xf: {  	s26 =	sshll.u32 s10, $0xD;
	s10 =	smul.u32 $0x140000, s10;
	s0 =	sadd.s32 s0, s13  }
0x10: {  	s20 =	ssub.s32 s12, s25;
	s3 =	sadd.s32 s3, s13;
	[dreg:$0x9] =	wrdreg s0  }
0x11: {  	s13 =	sor.u32 $0x800, s26;
	s14 =	sadd.s32 s6, s26;
	[dreg:$0xa] =	wrdreg s3  }
0x12: {  	s16 =	sor.u32 $0x1000, s26;
	s11 =	sshrl.u32 s11, $0x3;
	[dreg:$0xc] =	wrdreg s14  }
0x13: {  	s15 =	sadd.s32 s6, s13;
	s17 =	sadd.s32 s6, s16;
	s0 =	sadd.s32 s7, s26  }
0x14: {  	s13 =	sadd.s32 s7, s13;
	s14 =	sadd.s32 s7, s16;
	s19 =	sshrl.u32 s10, $0x3  }
0x15: {  	s3 =	sadd.s32 s22, s21;
	s20 =	smax.u32 s20, $0x1;
	[dreg:$0xd] =	wrdreg s15  }
0x16: {  	s5 =	sadd.s32 s11, s5;
	[dreg:$0xe] =	wrdreg s17;
	s15 =	sor.u32 $0x1800, s26  }
0x17: {  	[dreg:$0x10] =	wrdreg s0;
	s0 =	sadd.s32 s9, s19;
	s25 =	sshrl.u32 s3, $0x3  }
0x18: {  	s26 =	sadd.s32 s23, s9;
	s23 =	simm.s32 $0x5;
	s3 =	simm.s32 $0x2  }
0x19: {  	s12 =	sadd.s32 $0x800, s5;
	s6 =	sadd.s32 s6, s15;
	s15 =	sadd.s32 s7, s15  }
0x1a: {  	s16 =	sadd.s32 $0x26000, s0;
	s17 =	sadd.s32 $0x26800, s0;
	s18 =	sadd.s32 $0x27000, s0  }
0x1b: {  	s19 =	sadd.s32 $0x27800, s0;
	s21 =	sadd.s32 s25, s9;
	s22 =	sadd.s32 s24, s26  }
0x1c: {  	s24 =	simm.s32 $0x200;
	s25 =	simm.s32 $0x400;
	s26 =	simm.s32 $0x80  }
0x1d: {  	s0 =	simm.s32 $0xEC00;
	s5 =	simm.s32 $0x3;
	[dreg:$0xb] =	wrdreg s12  }
0x1e: {  	s7 =	simm.s32 $0x0;
	[dreg:$0xf] =	wrdreg s6;
	s6 =	simm.s32 $0x4  }
.LBB2_1:
0x1f: {  	s8 =	rddreg [dreg:$0x9]  }
0x20: {  	[tilespmem:s4], [sflag:$0x5] =	stream.linear.gather [hbm4b:s8+s4], $0x200, $0x38;
	[tilespmem:$0x12C00] =	vst v63  }
0x21: {  	_ =	swait.ge [sflag:s23], $0x200  }
0x22: {  	[sflag:s23] =	ssyncset.done $0x0  }
0x23: {  	s9 =	rddreg [dreg:$0xa];
	[sflag:s23] =	ssyncadd.s32 $0xFFFFFE00  }
0x24: {  	[tilespmem:s24], [sflag:$0x5] =	stream.linear.gather [hbm4b:s9+s4], $0x200, $0x38;
	[tilespmem:$0x12C00] =	vst v63  }
0x25: {  	_ =	swait.ge [sflag:s23], $0x200  }
0x26: {  	[sflag:s23] =	ssyncset.done $0x0  }
0x27: {  	s10 =	rddreg [dreg:$0xb];
	[sflag:s23] =	ssyncadd.s32 $0xFFFFFE00  }
0x28: {  	[tilespmem:s25], [sflag:$0x5] =	stream.linear.gather [hbm4b:s10+s4], $0x2800, $0x38;
	[tilespmem:$0x12C00] =	vst v63  }
0x29: {  	_ =	swait.ge [sflag:s23], $0x2800  }
0x2a: {  	[sflag:s23] =	ssyncset.done $0x0  }
0x2b: {  	[sflag:s23] =	ssyncadd.s32 $0xFFFFD800  }
0x2c: {  	[tilespmem:s28], [sflag:$0x1] =	stream.indirect.gather [hbm4b:s1+s26], $0x80, s4, s26, $0xb8;
	[tilespmem:$0x12C00] =	vst v63  }
0x2d: {  	_ = 	snop  }
0x2e: {  	[tilespmem:s29], [sflag:$0x1] =	stream.indirect.gather [hbm4b:s1+s26], $0x80, s26, s26, $0xb8;
	[tilespmem:$0x12C00] =	vst v63  }
0x2f: {  	s11 =	simm.s32 $0x100  }
0x30: {  	[tilespmem:s31], [sflag:$0x2] =	stream.indirect.gather [hbm4b:s1+s26], $0x80, s11, s26, $0xb8;
	[tilespmem:$0x12C00] =	vst v63  }
0x31: {  	s12 =	simm.s32 $0x180  }
0x32: {  	[tilespmem:s0], [sflag:$0x2] =	stream.indirect.gather [hbm4b:s1+s26], $0x80, s12, s26, $0xb8;
	[tilespmem:$0x12C00] =	vst v63  }
0x33: {  	_ =	swait.ge [sflag:s30], $0x4000  }
0x34: {  	[sflag:s30] =	ssyncset.done $0x0  }
0x35: {  	[sflag:s30] =	ssyncadd.s32 $0xFFFFC000  }
0x36: {  	_ =	swait.ge [sflag:s30], $0x4000  }
0x37: {  	[sflag:s30] =	ssyncset.done $0x0  }
0x38: {  	s9 =	rddreg [dreg:$0xc];
	[sflag:s30] =	ssyncadd.s32 $0xFFFFC000  }
0x39: {  	[hbm4b:s9+s4] =	stream.linear.scatter [tilespmem:s28], [sflag:$0x3], $0x4000, $0x38;
	[tilespmem:$0x12C00] =	vst v63  }
0x3a: {  	s10 =	rddreg [dreg:$0xd]  }
0x3b: {  	[hbm4b:s10+s4] =	stream.linear.scatter [tilespmem:s29], [sflag:$0x3], $0x4000, $0x38;
	[tilespmem:$0x12C00] =	vst v63  }
0x3c: {  	_ =	swait.ge [sflag:s3], $0x4000  }
0x3d: {  	[sflag:s3] =	ssyncset.done $0x0  }
0x3e: {  	[sflag:s3] =	ssyncadd.s32 $0xFFFFC000  }
0x3f: {  	_ =	swait.ge [sflag:s3], $0x4000  }
0x40: {  	[sflag:s3] =	ssyncset.done $0x0  }
0x41: {  	s11 =	rddreg [dreg:$0xe];
	[sflag:s3] =	ssyncadd.s32 $0xFFFFC000  }
0x42: {  	[hbm4b:s11+s4] =	stream.linear.scatter [tilespmem:s31], [sflag:$0x4], $0x4000, $0x38;
	[tilespmem:$0x12C00] =	vst v63  }
0x43: {  	s12 =	rddreg [dreg:$0xf]  }
0x44: {  	[hbm4b:s12+s4] =	stream.linear.scatter [tilespmem:s0], [sflag:$0x4], $0x4000, $0x38;
	[tilespmem:$0x12C00] =	vst v63  }
0x45: {  	_ =	swait.ge [sflag:s5], $0x4000  }
0x46: {  	[sflag:s5] =	ssyncset.done $0x0  }
0x47: {  	[sflag:s5] =	ssyncadd.s32 $0xFFFFC000  }
0x48: {  	_ =	swait.ge [sflag:s5], $0x4000  }
0x49: {  	[sflag:s5] =	ssyncset.done $0x0  }
0x4a: {  	[sflag:s5] =	ssyncadd.s32 $0xFFFFC000  }
0x4b: {  	_ =	swait.ge [sflag:s6], $0x4000  }
0x4c: {  	[sflag:s6] =	ssyncset.done $0x0  }
0x4d: {  	[sflag:s6] =	ssyncadd.s32 $0xFFFFC000  }
0x4e: {  	_ =	swait.ge [sflag:s6], $0x4000  }
0x4f: {  	[sflag:s6] =	ssyncset.done $0x0  }
0x50: {  	[sflag:s6] =	ssyncadd.s32 $0xFFFFC000  }
0x51: {  	[tilespmem:s28], [sflag:$0x1] =	stream.indirect.gather [hbm4b:s2+s26], $0x80, s24, s26, $0xb8;
	[tilespmem:$0x12C00] =	vst v63  }
0x52: {  	s9 =	simm.s32 $0x280  }
0x53: {  	[tilespmem:s29], [sflag:$0x1] =	stream.indirect.gather [hbm4b:s2+s26], $0x80, s9, s26, $0xb8;
	[tilespmem:$0x12C00] =	vst v63  }
0x54: {  	s10 =	simm.s32 $0x300  }
0x55: {  	[tilespmem:s31], [sflag:$0x2] =	stream.indirect.gather [hbm4b:s2+s26], $0x80, s10, s26, $0xb8;
	[tilespmem:$0x12C00] =	vst v63  }
0x56: {  	s11 =	simm.s32 $0x380  }
0x57: {  	[tilespmem:s0], [sflag:$0x2] =	stream.indirect.gather [hbm4b:s2+s26], $0x80, s11, s26, $0xb8;
	[tilespmem:$0x12C00] =	vst v63  }
0x58: {  	_ =	swait.ge [sflag:s30], $0x4000  }
0x59: {  	[sflag:s30] =	ssyncset.done $0x0  }
0x5a: {  	[sflag:s30] =	ssyncadd.s32 $0xFFFFC000  }
0x5b: {  	_ =	swait.ge [sflag:s30], $0x4000  }
0x5c: {  	[sflag:s30] =	ssyncset.done $0x0  }
0x5d: {  	s12 =	rddreg [dreg:$0x10];
	[sflag:s30] =	ssyncadd.s32 $0xFFFFC000  }
0x5e: {  	[hbm4b:s12+s4] =	stream.linear.scatter [tilespmem:s28], [sflag:$0x3], $0x4000, $0x38;
	[tilespmem:$0x12C00] =	vst v63  }
0x5f: {  	_ = 	snop  }
0x60: {  	[hbm4b:s13+s4] =	stream.linear.scatter [tilespmem:s29], [sflag:$0x3], $0x4000, $0x38;
	[tilespmem:$0x12C00] =	vst v63  }
0x61: {  	_ =	swait.ge [sflag:s3], $0x4000  }
0x62: {  	[sflag:s3] =	ssyncset.done $0x0  }
0x63: {  	[sflag:s3] =	ssyncadd.s32 $0xFFFFC000  }
0x64: {  	_ =	swait.ge [sflag:s3], $0x4000  }
0x65: {  	[sflag:s3] =	ssyncset.done $0x0  }
0x66: {  	[sflag:s3] =	ssyncadd.s32 $0xFFFFC000  }
0x67: {  	[hbm4b:s14+s4] =	stream.linear.scatter [tilespmem:s31], [sflag:$0x4], $0x4000, $0x38;
	[tilespmem:$0x12C00] =	vst v63  }
0x68: {  	_ = 	snop  }
0x69: {  	[hbm4b:s15+s4] =	stream.linear.scatter [tilespmem:s0], [sflag:$0x4], $0x4000, $0x38;
	[tilespmem:$0x12C00] =	vst v63  }
0x6a: {  	_ =	swait.ge [sflag:s5], $0x4000  }
0x6b: {  	[sflag:s5] =	ssyncset.done $0x0  }
0x6c: {  	[sflag:s5] =	ssyncadd.s32 $0xFFFFC000  }
0x6d: {  	_ =	swait.ge [sflag:s5], $0x4000  }
0x6e: {  	[sflag:s5] =	ssyncset.done $0x0  }
0x6f: {  	[sflag:s5] =	ssyncadd.s32 $0xFFFFC000  }
0x70: {  	_ =	swait.ge [sflag:s6], $0x4000  }
0x71: {  	[sflag:s6] =	ssyncset.done $0x0  }
0x72: {  	[sflag:s6] =	ssyncadd.s32 $0xFFFFC000  }
0x73: {  	_ =	swait.ge [sflag:s6], $0x4000  }
0x74: {  	[sflag:s6] =	ssyncset.done $0x0  }
0x75: {  	[sflag:s6] =	ssyncadd.s32 $0xFFFFC000  }
0x76: {  	[tilespmem:s28], [sflag:$0x1] =	stream.indirect.gather [hbm4b:s2+s26], $0x80, s25, s26, $0xb8;
	[tilespmem:$0x12C00] =	vst v63  }
0x77: {  	s9 =	simm.s32 $0x480  }
0x78: {  	[tilespmem:s29], [sflag:$0x1] =	stream.indirect.gather [hbm4b:s2+s26], $0x80, s9, s26, $0xb8;
	[tilespmem:$0x12C00] =	vst v63  }
0x79: {  	s10 =	simm.s32 $0x500  }
0x7a: {  	[tilespmem:s31], [sflag:$0x2] =	stream.indirect.gather [hbm4b:s2+s26], $0x80, s10, s26, $0xb8;
	[tilespmem:$0x12C00] =	vst v63  }
0x7b: {  	s11 =	simm.s32 $0x580  }
0x7c: {  	[tilespmem:s0], [sflag:$0x2] =	stream.indirect.gather [hbm4b:s2+s26], $0x80, s11, s26, $0xb8;
	[tilespmem:$0x12C00] =	vst v63  }
0x7d: {  	_ =	swait.ge [sflag:s30], $0x4000  }
0x7e: {  	[sflag:s30] =	ssyncset.done $0x0  }
0x7f: {  	[sflag:s30] =	ssyncadd.s32 $0xFFFFC000  }
0x80: {  	_ =	swait.ge [sflag:s30], $0x4000  }
0x81: {  	[sflag:s30] =	ssyncset.done $0x0  }
0x82: {  	s12 =	sadd.s32 $0x0, s21;
	s9 =	sadd.s32 $0x0, s22;
	[sflag:s30] =	ssyncadd.s32 $0xFFFFC000  }
0x83: {  	[hbm4b:s12+s4] =	stream.linear.scatter [tilespmem:s28], [sflag:$0x3], $0x4000, $0x38;
	[tilespmem:$0x12C00] =	vst v63  }
0x84: {  	s10 =	sadd.s32 $0x800, s9  }
0x85: {  	[hbm4b:s10+s4] =	stream.linear.scatter [tilespmem:s29], [sflag:$0x3], $0x4000, $0x38;
	[tilespmem:$0x12C00] =	vst v63  }
0x86: {  	_ =	swait.ge [sflag:s5], $0x4000  }
0x87: {  	[sflag:s5] =	ssyncset.done $0x0  }
0x88: {  	[sflag:s5] =	ssyncadd.s32 $0xFFFFC000  }
0x89: {  	_ =	swait.ge [sflag:s5], $0x4000  }
0x8a: {  	[sflag:s5] =	ssyncset.done $0x0  }
0x8b: {  	s11 =	simm.s32 $0x600;
	[sflag:s5] =	ssyncadd.s32 $0xFFFFC000  }
0x8c: {  	[tilespmem:s28], [sflag:$0x1] =	stream.indirect.gather [hbm4b:s2+s26], $0x80, s11, s26, $0xb8;
	[tilespmem:$0x12C00] =	vst v63  }
0x8d: {  	s12 =	simm.s32 $0x680  }
0x8e: {  	[tilespmem:s29], [sflag:$0x1] =	stream.indirect.gather [hbm4b:s2+s26], $0x80, s12, s26, $0xb8;
	[tilespmem:$0x12C00] =	vst v63  }
0x8f: {  	_ =	swait.ge [sflag:s3], $0x4000  }
0x90: {  	[sflag:s3] =	ssyncset.done $0x0  }
0x91: {  	[sflag:s3] =	ssyncadd.s32 $0xFFFFC000  }
0x92: {  	_ =	swait.ge [sflag:s3], $0x4000  }
0x93: {  	[sflag:s3] =	ssyncset.done $0x0  }
0x94: {  	s10 =	sadd.s32 $0x1000, s9;
	[sflag:s3] =	ssyncadd.s32 $0xFFFFC000  }
0x95: {  	[hbm4b:s10+s4] =	stream.linear.scatter [tilespmem:s31], [sflag:$0x4], $0x4000, $0x38;
	[tilespmem:$0x12C00] =	vst v63  }
0x96: {  	s11 =	sadd.s32 $0x1800, s9  }
0x97: {  	[hbm4b:s11+s4] =	stream.linear.scatter [tilespmem:s0], [sflag:$0x4], $0x4000, $0x38;
	[tilespmem:$0x12C00] =	vst v63  }
0x98: {  	_ =	swait.ge [sflag:s6], $0x4000  }
0x99: {  	[sflag:s6] =	ssyncset.done $0x0  }
0x9a: {  	[sflag:s6] =	ssyncadd.s32 $0xFFFFC000  }
0x9b: {  	_ =	swait.ge [sflag:s6], $0x4000  }
0x9c: {  	s8 =	simm.s32 $0x780;
	s9 =	simm.s32 $0x2000;
	[sflag:s6] =	ssyncset.done $0x0  }
0x9d: {  	s12 =	simm.s32 $0x700;
	s10 =	simm.s32 $0x980;
	[sflag:s6] =	ssyncadd.s32 $0xFFFFC000  }
0x9e: {  	[tilespmem:s31], [sflag:$0x2] =	stream.indirect.gather [hbm4b:s2+s26], $0x80, s12, s26, $0xb8;
	[tilespmem:$0x12C00] =	vst v63  }
.LBB2_2:
0x9f: {  	[tilespmem:s0], [sflag:$0x2] =	stream.indirect.gather [hbm4b:s2+s26], $0x80, s8, s26, $0xb8;
	[tilespmem:$0x12C00] =	vst v63  }
0xa0: {  	s11 =	smov.u32 s9;
	s8 =	smov.u32 s10  }
0xa1: {  	p0 =	sne.s32 s9, $0x24000;
	s9 =	sadd.s32 $0x2000, s9;
	_ =	swait.ge [sflag:s30], $0x4000  }
0xa2: {  	[sflag:s30] =	ssyncset.done $0x0  }
0xa3: {  	[sflag:s30] =	ssyncadd.s32 $0xFFFFC000  }
0xa4: {  	_ =	swait.ge [sflag:s30], $0x4000  }
0xa5: {  	[sflag:s30] =	ssyncset.done $0x0  }
0xa6: {  	s12 =	sadd.s32 s11, s21;
	s11 =	sadd.s32 s11, s22;
	[sflag:s30] =	ssyncadd.s32 $0xFFFFC000  }
0xa7: {  	[hbm4b:s12+s4] =	stream.linear.scatter [tilespmem:s28], [sflag:$0x3], $0x4000, $0x38;
	[tilespmem:$0x12C00] =	vst v63  }
0xa8: {  	s12 =	sadd.s32 $0x800, s11  }
0xa9: {  	[hbm4b:s12+s4] =	stream.linear.scatter [tilespmem:s29], [sflag:$0x3], $0x4000, $0x38;
	[tilespmem:$0x12C00] =	vst v63  }
0xaa: {  	_ =	swait.ge [sflag:s5], $0x4000  }
0xab: {  	[sflag:s5] =	ssyncset.done $0x0  }
0xac: {  	[sflag:s5] =	ssyncadd.s32 $0xFFFFC000  }
0xad: {  	_ =	swait.ge [sflag:s5], $0x4000  }
0xae: {  	[sflag:s5] =	ssyncset.done $0x0  }
0xaf: {  	s12 =	sadd.s32 $0xFFFFFE80, s10;
	[sflag:s5] =	ssyncadd.s32 $0xFFFFC000  }
0xb0: {  	[tilespmem:s28], [sflag:$0x1] =	stream.indirect.gather [hbm4b:s2+s26], $0x80, s12, s26, $0xb8;
	[tilespmem:$0x12C00] =	vst v63  }
0xb1: {  	s12 =	sadd.s32 $0xFFFFFF00, s10  }
0xb2: {  	[tilespmem:s29], [sflag:$0x1] =	stream.indirect.gather [hbm4b:s2+s26], $0x80, s12, s26, $0xb8;
	[tilespmem:$0x12C00] =	vst v63  }
0xb3: {  	_ =	swait.ge [sflag:s3], $0x4000  }
0xb4: {  	[sflag:s3] =	ssyncset.done $0x0  }
0xb5: {  	[sflag:s3] =	ssyncadd.s32 $0xFFFFC000  }
0xb6: {  	_ =	swait.ge [sflag:s3], $0x4000  }
0xb7: {  	[sflag:s3] =	ssyncset.done $0x0  }
0xb8: {  	s12 =	sadd.s32 $0x1000, s11;
	[sflag:s3] =	ssyncadd.s32 $0xFFFFC000  }
0xb9: {  	[hbm4b:s12+s4] =	stream.linear.scatter [tilespmem:s31], [sflag:$0x4], $0x4000, $0x38;
	[tilespmem:$0x12C00] =	vst v63  }
0xba: {  	s11 =	sadd.s32 $0x1800, s11  }
0xbb: {  	[hbm4b:s11+s4] =	stream.linear.scatter [tilespmem:s0], [sflag:$0x4], $0x4000, $0x38;
	[tilespmem:$0x12C00] =	vst v63  }
0xbc: {  	_ =	swait.ge [sflag:s6], $0x4000  }
0xbd: {  	[sflag:s6] =	ssyncset.done $0x0  }
0xbe: {  	[sflag:s6] =	ssyncadd.s32 $0xFFFFC000  }
.Ltmp0:
0xbf: {  	_ =	swait.ge [sflag:s6], $0x4000;
	(pc) =	sbr.rel @p0 .LBB2_2-.Ltmp0, $4  }
0xc0: {  	[sflag:s6] =	ssyncset.done $0x0  }
0xc1: {  	s11 =	sadd.s32 $0xFFFFFF80, s10;
	[sflag:s6] =	ssyncadd.s32 $0xFFFFC000  }
0xc2: {  	[tilespmem:s31], [sflag:$0x2] =	stream.indirect.gather [hbm4b:s2+s26], $0x80, s11, s26, $0xb8;
	[tilespmem:$0x12C00] =	vst v63  }
0xc3: {  	s10 =	sadd.s32 $0x200, s10  }
0xc4: {  	[tilespmem:s0], [sflag:$0x2] =	stream.indirect.gather [hbm4b:s2+s26], $0x80, s8, s26, $0xb8;
	[tilespmem:$0x12C00] =	vst v63  }
0xc5: {  	_ =	swait.ge [sflag:s30], $0x4000  }
0xc6: {  	[sflag:s30] =	ssyncset.done $0x0  }
0xc7: {  	[sflag:s30] =	ssyncadd.s32 $0xFFFFC000  }
0xc8: {  	_ =	swait.ge [sflag:s30], $0x4000  }
0xc9: {  	[sflag:s30] =	ssyncset.done $0x0  }
0xca: {  	[sflag:s30] =	ssyncadd.s32 $0xFFFFC000  }
0xcb: {  	[hbm4b:s16+s4] =	stream.linear.scatter [tilespmem:s28], [sflag:$0x3], $0x4000, $0x38;
	[tilespmem:$0x12C00] =	vst v63  }
0xcc: {  	_ = 	snop  }
0xcd: {  	[hbm4b:s17+s4] =	stream.linear.scatter [tilespmem:s29], [sflag:$0x3], $0x4000, $0x38;
	[tilespmem:$0x12C00] =	vst v63  }
0xce: {  	_ =	swait.ge [sflag:s3], $0x4000  }
0xcf: {  	[sflag:s3] =	ssyncset.done $0x0  }
0xd0: {  	[sflag:s3] =	ssyncadd.s32 $0xFFFFC000  }
0xd1: {  	_ =	swait.ge [sflag:s3], $0x4000  }
0xd2: {  	[sflag:s3] =	ssyncset.done $0x0  }
0xd3: {  	[sflag:s3] =	ssyncadd.s32 $0xFFFFC000  }
0xd4: {  	[hbm4b:s18+s4] =	stream.linear.scatter [tilespmem:s31], [sflag:$0x4], $0x4000, $0x38;
	[tilespmem:$0x12C00] =	vst v63  }
0xd5: {  	_ = 	snop  }
0xd6: {  	[hbm4b:s19+s4] =	stream.linear.scatter [tilespmem:s0], [sflag:$0x4], $0x4000, $0x38;
	[tilespmem:$0x12C00] =	vst v63  }
0xd7: {  	_ =	swait.ge [sflag:s5], $0x4000  }
0xd8: {  	[sflag:s5] =	ssyncset.done $0x0  }
0xd9: {  	[sflag:s5] =	ssyncadd.s32 $0xFFFFC000  }
0xda: {  	_ =	swait.ge [sflag:s5], $0x4000  }
0xdb: {  	[sflag:s5] =	ssyncset.done $0x0  }
0xdc: {  	s7 =	sadd.s32 $0x1, s7;
	[sflag:s5] =	ssyncadd.s32 $0xFFFFC000  }
0xdd: {  	p0 =	sne.s32 s7, s20;
	_ =	swait.ge [sflag:s6], $0x4000  }
.Ltmp1:
0xde: {  	[sflag:s6] =	ssyncset.done $0x0;
	(pc) =	sbr.rel @p0 .LBB2_1-.Ltmp1, $4  }
0xdf: {  	[sflag:s6] =	ssyncadd.s32 $0xFFFFC000  }
0xe0: {  	_ =	swait.ge [sflag:s6], $0x4000  }
0xe1: {  	[sflag:s6] =	ssyncset.done $0x0  }
0xe2: {  	[sflag:s6] =	ssyncadd.s32 $0xFFFFC000  }
0xe3: {  	_ =	sfence.sel $0x180000  }
0xe4: {  	[bflag:$0x0] =	sbarrier.arrive $0xFFFF  }
0xe5: {  	_ =	strace $0x90000047  }
0xe6: {  	s0 =	stileid.u32;
	[bflag:$0x2] =	sbarrier.arrive $0xFFFF  }
0xe7: {  	p0 =	sne.s32 s0, $0x0;
	s0 =	rddreg [dreg:$0x8]  }
0xe8: {  	s0 =	sadd.s32 @!p0 $0x100000, s0  }
0xe9: {  	[sflag:s0] =	ssyncadd.tile.s32 @!p0 $0x1;
	_ =	shalt  }
.Lfunc_end2:
_tile_overlayer_lowered:
.L_overlay_start_2:
0xea: {  	(tag) =	ssettag $0x2  }
0xeb: {  	s0 =	rddreg [dreg:$0x0];
	s2 =	stileid.u32  }
0xec: {  	s1 =	rddreg [dreg:$0x1];
	p0 =	sne.s32 s2, $0x0  }
0xed: {  	s3 =	rddreg [dreg:$0x2];
	[bflag:$0x3] =	sbarrier.arrive $0xFFFF;
	s2 =	simm.s32 @!p0 $0x1C05  }
0xee: {  	[timem:s3], [sflag:s2] =	dma.local @!p0 [hbm:s0], s1  }
0xef: {  	s0 =	simm.s32 @!p0 $0x5  }
0xf0: {  	_ =	swait.ge @!p0 [sflag:s0], s1  }
0xf1: {  	s1 =	ssub.s32 @!p0 $0x0, s1;
	[sflag:s0] =	ssyncset.done @!p0 $0x0  }
0xf2: {  	[sflag:s0] =	ssyncadd.s32 @!p0 s1  }
0xf3: {  	[bflag:$0x3] =	sbarrier.arrive $0xFFFF  }
0xf4: {  	_ =	shalt  }

</sc_bundles>
